<compile_context>
chip_gen: v7x
topology: tpu7x:2x2x1
jax: 0.10.2.dev20260603
libtpu: 0.0.44.dev20260713+nightly
codegen_flags: <defaults>
</compile_context>

<pallas_src>
import functools
import math

import jax
import jax.numpy as jnp
from jax import lax
from jax.experimental import pallas as pl
from jax.experimental.pallas import tpu as pltpu
from jax.experimental.pallas import tpu_sc as plsc

_STD = (0.1, 0.1, 0.2, 0.2)
_MAX_RATIO = abs(math.log(0.016))



def _tc_body(bn, n, num_classes, lg_ref, rg_ref, pr_ref,
             o0_ref, o1_ref, o2_ref, o3_ref, pcum_ref, valid_ref, nv_ref,
             carry):
    c = pl.program_id(0)

    @pl.when(c == 0)
    def _():
        carry[0] = 0

    lg = lg_ref[...]
    mx = jnp.max(lg, axis=0, keepdims=True)
    rowid = lax.broadcasted_iota(jnp.int32, lg.shape, 0)
    am = jnp.min(jnp.where(lg == mx, rowid, num_classes), axis=0,
                 keepdims=True)

    rg = rg_ref[...]
    sel = lax.broadcasted_iota(jnp.int32, (num_classes, 1, bn), 0) == am
    delta = jnp.sum(jnp.where(sel, rg, 0.0), axis=0)

    dx = delta[0:1] * _STD[0]
    dy = delta[1:2] * _STD[1]
    dw = jnp.clip(delta[2:3] * _STD[2], -_MAX_RATIO, _MAX_RATIO)
    dh = jnp.clip(delta[3:4] * _STD[3], -_MAX_RATIO, _MAX_RATIO)

    pr = pr_ref[...]
    px1, py1, px2, py2 = pr[0:1], pr[1:2], pr[2:3], pr[3:4]
    px = (px1 + px2) * 0.5
    py = (py1 + py2) * 0.5
    pw = px2 - px1
    ph = py2 - py1
    gw = pw * jnp.exp(dw)
    gh = ph * jnp.exp(dh)
    gx = px + pw * dx
    gy = py + ph * dy
    o0 = jnp.clip(gx - gw * 0.5, 0.0, 1.0)
    o1 = jnp.clip(gy - gh * 0.5, 0.0, 1.0)
    o2 = jnp.clip(gx + gw * 0.5, 0.0, 1.0)
    o3 = jnp.clip(gy + gh * 0.5, 0.0, 1.0)

    lane = lax.broadcasted_iota(jnp.int32, (1, bn), 1) + c * bn
    vmask = (jnp.max(pr, axis=0, keepdims=True) > 0.0) & (lane < n)
    zf = jnp.zeros((1, bn), jnp.float32)
    o0 = jnp.where(vmask, o0, zf)
    o1 = jnp.where(vmask, o1, zf)
    o2 = jnp.where(vmask, o2, zf)
    o3 = jnp.where(vmask, o3, zf)

    valid = vmask.astype(jnp.int32)
    x = valid
    s = 1
    while s < bn:
        x = x + jnp.concatenate(
            [jnp.zeros((1, s), jnp.int32), x[:, : bn - s]], axis=1)
        s *= 2
    base = carry[0]
    tot = base + jnp.sum(valid)
    carry[0] = tot

    o0_ref[...] = o0.reshape(bn)
    o1_ref[...] = o1.reshape(bn)
    o2_ref[...] = o2.reshape(bn)
    o3_ref[...] = o3.reshape(bn)
    pcum_ref[...] = ((x - valid) + base).reshape(bn)
    valid_ref[...] = valid.reshape(bn)
    nv_ref[...] = jnp.broadcast_to(tot, (16,)).astype(jnp.int32)


def _tc_stage(logits_t, regress_t, props_t, np_rows):
    cnum = logits_t.shape[0]
    n = logits_t.shape[2]
    bn = 2048
    grid = np_rows // bn
    body = functools.partial(_tc_body, bn, n, cnum)
    o1d = jax.ShapeDtypeStruct((np_rows,), jnp.float32)
    i1d = jax.ShapeDtypeStruct((np_rows,), jnp.int32)
    return pl.pallas_call(
        body,
        grid=(grid,),
        in_specs=[
            pl.BlockSpec((cnum, 1, bn), lambda i: (0, 0, i)),
            pl.BlockSpec((cnum, 4, bn), lambda i: (0, 0, i)),
            pl.BlockSpec((4, bn), lambda i: (0, i)),
        ],
        out_specs=[
            pl.BlockSpec((bn,), lambda i: (i,)),
            pl.BlockSpec((bn,), lambda i: (i,)),
            pl.BlockSpec((bn,), lambda i: (i,)),
            pl.BlockSpec((bn,), lambda i: (i,)),
            pl.BlockSpec((bn,), lambda i: (i,)),
            pl.BlockSpec((bn,), lambda i: (i,)),
            pl.BlockSpec((16,), lambda i: (0,)),
        ],
        out_shape=[o1d, o1d, o1d, o1d, i1d, i1d,
                   jax.ShapeDtypeStruct((16,), jnp.int32)],
        scratch_shapes=[pltpu.SMEM((1,), jnp.int32)],
    )(logits_t, regress_t, props_t)



def _sc_stage(o0, o1, o2, o3, pcum, valid, nv16, np_rows, nw, nc):
    bt = np_rows // nw
    nch = bt // 128
    ng = bt // 16
    mesh = plsc.VectorSubcoreMesh(core_axis_name="c", subcore_axis_name="s")

    @functools.partial(
        pl.kernel,
        mesh=mesh,
        compiler_params=pltpu.CompilerParams(
            needs_layout_passes=False, use_tc_tiling_on_sc=False),
        out_type=jax.ShapeDtypeStruct((np_rows, 8), jnp.float32),
        scratch_types=[
            pltpu.VMEM((bt,), jnp.float32),
            pltpu.VMEM((bt,), jnp.float32),
            pltpu.VMEM((bt,), jnp.float32),
            pltpu.VMEM((bt,), jnp.float32),
            pltpu.VMEM((bt,), jnp.int32),
            pltpu.VMEM((bt,), jnp.int32),
            pltpu.VMEM((bt, 8), jnp.float32),
            pltpu.VMEM((nch, 128), jnp.int32),
            pltpu.VMEM((16,), jnp.int32),
            pltpu.SemaphoreType.DMA,
        ],
    )
    def sc_kernel(o0_hbm, o1_hbm, o2_hbm, o3_hbm, pcum_hbm, valid_hbm,
                  nv_hbm, out_hbm, o0_v, o1_v, o2_v, o3_v, pcum_v, valid_v,
                  rows_v, tgt_v, nv_v, sem):
        wid = lax.axis_index("s") * nc + lax.axis_index("c")
        base = wid * bt
        pltpu.sync_copy(o0_hbm.at[pl.ds(base, bt)], o0_v)
        pltpu.sync_copy(o1_hbm.at[pl.ds(base, bt)], o1_v)
        pltpu.sync_copy(o2_hbm.at[pl.ds(base, bt)], o2_v)
        pltpu.sync_copy(o3_hbm.at[pl.ds(base, bt)], o3_v)
        pltpu.sync_copy(pcum_hbm.at[pl.ds(base, bt)], pcum_v)
        pltpu.sync_copy(valid_hbm.at[pl.ds(base, bt)], valid_v)
        pltpu.sync_copy(nv_hbm, nv_v)

        nv16v = nv_v[...]
        iota16 = lax.iota(jnp.int32, 16)
        cols = [jnp.full((16,), k, jnp.int32) for k in range(4)]

        def group(g, carry_unused):
            r16 = g * 16 + iota16
            v0 = plsc.load_gather(o0_v, [r16])
            v1 = plsc.load_gather(o1_v, [r16])
            v2 = plsc.load_gather(o2_v, [r16])
            v3 = plsc.load_gather(o3_v, [r16])
            plsc.store_scatter(rows_v, [r16, cols[0]], v0)
            plsc.store_scatter(rows_v, [r16, cols[1]], v1)
            plsc.store_scatter(rows_v, [r16, cols[2]], v2)
            plsc.store_scatter(rows_v, [r16, cols[3]], v3)
            pc16 = plsc.load_gather(pcum_v, [r16])
            vm16 = plsc.load_gather(valid_v, [r16]) > 0
            j16 = base + r16
            tgt16 = jnp.where(vm16, pc16, nv16v + (j16 - pc16))
            trow = jnp.full((16,), 0, jnp.int32) + (g // 8)
            tlane = (g % 8) * 16 + iota16
            plsc.store_scatter(tgt_v, [trow, tlane], tgt16)
            return carry_unused

        lax.fori_loop(0, ng, group, 0)

        scatters = [
            pltpu.async_copy(
                rows_v.at[pl.ds(k * 128, 128)],
                out_hbm.at[tgt_v.at[k]], sem)
            for k in range(nch)
        ]
        for cp in scatters:
            cp.wait()

    return sc_kernel(o0, o1, o2, o3, pcum, valid, nv16)


def kernel(cls_logits, cls_regress, proposals):
    b, n, cnum = cls_logits.shape
    logits_t = cls_logits.transpose(2, 0, 1)
    regress_t = cls_regress.transpose(0, 2, 3, 1).reshape(cnum, 4, n)
    props_t = proposals.transpose(0, 2, 1).reshape(4, n)

    info = plsc.get_sparse_core_info()
    nw = info.num_cores * info.num_subcores
    align = nw * 128
    np_rows = ((n + align - 1) // align) * align

    o0, o1, o2, o3, pcum, valid, nv16 = _tc_stage(
        logits_t, regress_t, props_t, np_rows)

    out = _sc_stage(o0, o1, o2, o3, pcum, valid, nv16,
                    np_rows, nw, info.num_cores)
    return lax.stop_gradient(out[:n, :4].reshape(b, n, 4))

# --- scband reference (transcript-rebuilt; emitter-appended) ---
"""Pipeline reference for scband-classifier2-proposal-59974923321896 (READ-ONLY COPY).

The authoritative reference and input builder live on the scoring server;
editing this copy changes nothing except your own understanding.
"""

import jax, jax.numpy as jnp
import numpy as np

MEAN = np.array([0.0, 0.0, 0.0, 0.0], dtype=np.float32)
STD = np.array([0.1, 0.1, 0.2, 0.2], dtype=np.float32)
CLIP_RATIO = 0.016


def delta2bbox(proposal, delta, mean, std, clip_ratio):
    delta = delta * jnp.asarray(std) + jnp.asarray(mean)
    dx = delta[..., 0]
    dy = delta[..., 1]
    dw = delta[..., 2]
    dh = delta[..., 3]
    max_ratio = abs(float(np.log(clip_ratio)))
    dw = jnp.clip(dw, -max_ratio, max_ratio)
    dh = jnp.clip(dh, -max_ratio, max_ratio)
    px = (proposal[..., 0] + proposal[..., 2]) * 0.5
    py = (proposal[..., 1] + proposal[..., 3]) * 0.5
    pw = proposal[..., 2] - proposal[..., 0]
    ph = proposal[..., 3] - proposal[..., 1]
    gw = pw * jnp.exp(dw)
    gh = ph * jnp.exp(dh)
    gx = px + pw * dx
    gy = py + ph * dy
    x1 = gx - gw * 0.5
    y1 = gy - gh * 0.5
    x2 = gx + gw * 0.5
    y2 = gy + gh * 0.5
    return jnp.stack([x1, y1, x2, y2], axis=-1)


def _classifier2proposal_single(cls_logit, cls_regress, proposal):
    # cls_logit: [N, C], cls_regress: [N, C, 4], proposal: [N, 4]
    N = proposal.shape[0]
    valid = jnp.max(proposal, axis=-1) > 0
    # stable compaction: move valid rows to the front (static-shape equivalent of gather_nd(where(...)))
    order = jnp.argsort((~valid).astype(jnp.int32), stable=True)
    cls_logit = jnp.take(cls_logit, order, axis=0)
    cls_regress = jnp.take(cls_regress, order, axis=0)
    proposal = jnp.take(proposal, order, axis=0)
    n_valid = jnp.sum(valid.astype(jnp.int32))
    logit_idx = jnp.argmax(cls_logit, axis=-1)  # [N]
    delta = jnp.take_along_axis(cls_regress, logit_idx[:, None, None], axis=1)[:, 0, :]  # [N, 4]
    proposal = jax.lax.stop_gradient(proposal)
    delta = jax.lax.stop_gradient(delta)
    out = delta2bbox(proposal, delta, MEAN, STD, CLIP_RATIO)
    out = jnp.clip(out, 0.0, 1.0)
    # zero-pad rows beyond the valid count (tf.pad equivalent at static shape)
    keep = jnp.arange(N) < n_valid
    out = jnp.where(keep[:, None], out, 0.0)
    return out


def setup_inputs(seed: int = 0) -> dict:
    key = jax.random.key(seed)
    k1, k2, k3 = jax.random.split(key, 3)
    cls_logits = jax.random.normal(k1, (1, 20000, 81), dtype=jnp.float32)
    cls_regress = jax.random.normal(k2, (1, 20000, 81, 4), dtype=jnp.float32)
    proposals = jax.random.uniform(k3, (1, 20000, 4), dtype=jnp.float32)
    return {"cls_logits": cls_logits, "cls_regress": cls_regress, "proposals": proposals}


def reference(cls_logits, cls_regress, proposals):
    out = jax.vmap(_classifier2proposal_single)(cls_logits, cls_regress, proposals)
    return jax.lax.stop_gradient(out)

if __name__ == "__main__":
    import jax
    _d = setup_inputs()
    print(jax.jit(kernel)(*tuple(_d.values())))

</pallas_src>

<mosaic_0001>
#map = affine_map<(d0, d1) -> (0)>
#map1 = affine_map<(d0, d1) -> (0, 0)>
module attributes {stable_mosaic.version = 14 : i64} {
  func.func @sc_kernel(%arg0: i32, %arg1: i32, %arg2: memref<20480xf32, #tpu.memory_space<hbm>>, %arg3: memref<20480xf32, #tpu.memory_space<hbm>>, %arg4: memref<20480xf32, #tpu.memory_space<hbm>>, %arg5: memref<20480xf32, #tpu.memory_space<hbm>>, %arg6: memref<20480xi32, #tpu.memory_space<hbm>>, %arg7: memref<20480xi32, #tpu.memory_space<hbm>>, %arg8: memref<16xi32, #tpu.memory_space<hbm>>, %arg9: memref<20480x8xf32, #tpu.memory_space<hbm>>, %arg10: memref<640xf32, #tpu.memory_space<vmem>>, %arg11: memref<640xf32, #tpu.memory_space<vmem>>, %arg12: memref<640xf32, #tpu.memory_space<vmem>>, %arg13: memref<640xf32, #tpu.memory_space<vmem>>, %arg14: memref<640xi32, #tpu.memory_space<vmem>>, %arg15: memref<640xi32, #tpu.memory_space<vmem>>, %arg16: memref<640x8xf32, #tpu.memory_space<vmem>>, %arg17: memref<5x128xi32, #tpu.memory_space<vmem>>, %arg18: memref<16xi32, #tpu.memory_space<vmem>>, %arg19: memref<!tpu.dma_semaphore, #tpu.memory_space<semaphore_mem>>) attributes {dimension_semantics = [#tpu.dimension_semantics<core_parallel>, #tpu.dimension_semantics<subcore_parallel>], iteration_bounds = array<i64: 2, 16>, scalar_prefetch = 0 : i64, scratch_operands = 10 : i64, tpu.core_type = #tpu.core_type<sc_vector_subcore>, window_params = [{transform_indices = #map}, {transform_indices = #map}, {transform_indices = #map}, {transform_indices = #map}, {transform_indices = #map}, {transform_indices = #map}, {transform_indices = #map}, {transform_indices = #map1}]} {
    %mul3A = arith.constant 2 : i32
    %mul3A_0 = arith.muli %arg1, %mul3A : i32
    %add3A = arith.addi %mul3A_0, %arg0 : i32
    %mul3A_1 = arith.constant 640 : i32
    %mul3A_2 = arith.muli %add3A, %mul3A_1 : i32
    "tpu.region"() ({
      %run_scoped3A = tpu.sem_alloc : memref<!tpu.dma_semaphore, #tpu.memory_space<semaphore_mem>>
      %dma_start3A_114 = tpu.memref_slice %arg2[%mul3A_2] : memref<20480xf32, #tpu.memory_space<hbm>> -> memref<640xf32, #tpu.memory_space<hbm>>
      %dma_start3A_115 = tpu.memref_slice %arg2[%mul3A_2] : memref<20480xf32, #tpu.memory_space<hbm>> -> memref<640xf32, #tpu.memory_space<hbm>>
      tpu.enqueue_dma source(%dma_start3A_115 : memref<640xf32, #tpu.memory_space<hbm>>) target(%arg10 : memref<640xf32, #tpu.memory_space<vmem>>) target_semaphore(%run_scoped3A : memref<!tpu.dma_semaphore, #tpu.memory_space<semaphore_mem>>)
      %dma_wait3A_116 = tpu.memref_slice %arg2[%mul3A_2] : memref<20480xf32, #tpu.memory_space<hbm>> -> memref<640xf32, #tpu.memory_space<hbm>>
      %dma_wait3A_117 = tpu.memref_slice %arg2[%mul3A_2] : memref<20480xf32, #tpu.memory_space<hbm>> -> memref<640xf32, #tpu.memory_space<hbm>>
      tpu.wait_dma2 semaphore(%run_scoped3A : memref<!tpu.dma_semaphore, #tpu.memory_space<semaphore_mem>>) src(%dma_wait3A_117 : memref<640xf32, #tpu.memory_space<hbm>>) dst(%arg10 : memref<640xf32, #tpu.memory_space<vmem>>)
      tpu.yield
    }) : () -> ()
    "tpu.region"() ({
      %run_scoped3A = tpu.sem_alloc : memref<!tpu.dma_semaphore, #tpu.memory_space<semaphore_mem>>
      %dma_start3A_114 = tpu.memref_slice %arg3[%mul3A_2] : memref<20480xf32, #tpu.memory_space<hbm>> -> memref<640xf32, #tpu.memory_space<hbm>>
      %dma_start3A_115 = tpu.memref_slice %arg3[%mul3A_2] : memref<20480xf32, #tpu.memory_space<hbm>> -> memref<640xf32, #tpu.memory_space<hbm>>
      tpu.enqueue_dma source(%dma_start3A_115 : memref<640xf32, #tpu.memory_space<hbm>>) target(%arg11 : memref<640xf32, #tpu.memory_space<vmem>>) target_semaphore(%run_scoped3A : memref<!tpu.dma_semaphore, #tpu.memory_space<semaphore_mem>>)
      %dma_wait3A_116 = tpu.memref_slice %arg3[%mul3A_2] : memref<20480xf32, #tpu.memory_space<hbm>> -> memref<640xf32, #tpu.memory_space<hbm>>
      %dma_wait3A_117 = tpu.memref_slice %arg3[%mul3A_2] : memref<20480xf32, #tpu.memory_space<hbm>> -> memref<640xf32, #tpu.memory_space<hbm>>
      tpu.wait_dma2 semaphore(%run_scoped3A : memref<!tpu.dma_semaphore, #tpu.memory_space<semaphore_mem>>) src(%dma_wait3A_117 : memref<640xf32, #tpu.memory_space<hbm>>) dst(%arg11 : memref<640xf32, #tpu.memory_space<vmem>>)
      tpu.yield
    }) : () -> ()
    "tpu.region"() ({
      %run_scoped3A = tpu.sem_alloc : memref<!tpu.dma_semaphore, #tpu.memory_space<semaphore_mem>>
      %dma_start3A_114 = tpu.memref_slice %arg4[%mul3A_2] : memref<20480xf32, #tpu.memory_space<hbm>> -> memref<640xf32, #tpu.memory_space<hbm>>
      %dma_start3A_115 = tpu.memref_slice %arg4[%mul3A_2] : memref<20480xf32, #tpu.memory_space<hbm>> -> memref<640xf32, #tpu.memory_space<hbm>>
      tpu.enqueue_dma source(%dma_start3A_115 : memref<640xf32, #tpu.memory_space<hbm>>) target(%arg12 : memref<640xf32, #tpu.memory_space<vmem>>) target_semaphore(%run_scoped3A : memref<!tpu.dma_semaphore, #tpu.memory_space<semaphore_mem>>)
      %dma_wait3A_116 = tpu.memref_slice %arg4[%mul3A_2] : memref<20480xf32, #tpu.memory_space<hbm>> -> memref<640xf32, #tpu.memory_space<hbm>>
      %dma_wait3A_117 = tpu.memref_slice %arg4[%mul3A_2] : memref<20480xf32, #tpu.memory_space<hbm>> -> memref<640xf32, #tpu.memory_space<hbm>>
      tpu.wait_dma2 semaphore(%run_scoped3A : memref<!tpu.dma_semaphore, #tpu.memory_space<semaphore_mem>>) src(%dma_wait3A_117 : memref<640xf32, #tpu.memory_space<hbm>>) dst(%arg12 : memref<640xf32, #tpu.memory_space<vmem>>)
      tpu.yield
    }) : () -> ()
    "tpu.region"() ({
      %run_scoped3A = tpu.sem_alloc : memref<!tpu.dma_semaphore, #tpu.memory_space<semaphore_mem>>
      %dma_start3A_114 = tpu.memref_slice %arg5[%mul3A_2] : memref<20480xf32, #tpu.memory_space<hbm>> -> memref<640xf32, #tpu.memory_space<hbm>>
      %dma_start3A_115 = tpu.memref_slice %arg5[%mul3A_2] : memref<20480xf32, #tpu.memory_space<hbm>> -> memref<640xf32, #tpu.memory_space<hbm>>
      tpu.enqueue_dma source(%dma_start3A_115 : memref<640xf32, #tpu.memory_space<hbm>>) target(%arg13 : memref<640xf32, #tpu.memory_space<vmem>>) target_semaphore(%run_scoped3A : memref<!tpu.dma_semaphore, #tpu.memory_space<semaphore_mem>>)
      %dma_wait3A_116 = tpu.memref_slice %arg5[%mul3A_2] : memref<20480xf32, #tpu.memory_space<hbm>> -> memref<640xf32, #tpu.memory_space<hbm>>
      %dma_wait3A_117 = tpu.memref_slice %arg5[%mul3A_2] : memref<20480xf32, #tpu.memory_space<hbm>> -> memref<640xf32, #tpu.memory_space<hbm>>
      tpu.wait_dma2 semaphore(%run_scoped3A : memref<!tpu.dma_semaphore, #tpu.memory_space<semaphore_mem>>) src(%dma_wait3A_117 : memref<640xf32, #tpu.memory_space<hbm>>) dst(%arg13 : memref<640xf32, #tpu.memory_space<vmem>>)
      tpu.yield
    }) : () -> ()
    "tpu.region"() ({
      %run_scoped3A = tpu.sem_alloc : memref<!tpu.dma_semaphore, #tpu.memory_space<semaphore_mem>>
      %dma_start3A_114 = tpu.memref_slice %arg6[%mul3A_2] : memref<20480xi32, #tpu.memory_space<hbm>> -> memref<640xi32, #tpu.memory_space<hbm>>
      %dma_start3A_115 = tpu.memref_slice %arg6[%mul3A_2] : memref<20480xi32, #tpu.memory_space<hbm>> -> memref<640xi32, #tpu.memory_space<hbm>>
      tpu.enqueue_dma source(%dma_start3A_115 : memref<640xi32, #tpu.memory_space<hbm>>) target(%arg14 : memref<640xi32, #tpu.memory_space<vmem>>) target_semaphore(%run_scoped3A : memref<!tpu.dma_semaphore, #tpu.memory_space<semaphore_mem>>)
      %dma_wait3A_116 = tpu.memref_slice %arg6[%mul3A_2] : memref<20480xi32, #tpu.memory_space<hbm>> -> memref<640xi32, #tpu.memory_space<hbm>>
      %dma_wait3A_117 = tpu.memref_slice %arg6[%mul3A_2] : memref<20480xi32, #tpu.memory_space<hbm>> -> memref<640xi32, #tpu.memory_space<hbm>>
      tpu.wait_dma2 semaphore(%run_scoped3A : memref<!tpu.dma_semaphore, #tpu.memory_space<semaphore_mem>>) src(%dma_wait3A_117 : memref<640xi32, #tpu.memory_space<hbm>>) dst(%arg14 : memref<640xi32, #tpu.memory_space<vmem>>)
      tpu.yield
    }) : () -> ()
    "tpu.region"() ({
      %run_scoped3A = tpu.sem_alloc : memref<!tpu.dma_semaphore, #tpu.memory_space<semaphore_mem>>
      %dma_start3A_114 = tpu.memref_slice %arg7[%mul3A_2] : memref<20480xi32, #tpu.memory_space<hbm>> -> memref<640xi32, #tpu.memory_space<hbm>>
      %dma_start3A_115 = tpu.memref_slice %arg7[%mul3A_2] : memref<20480xi32, #tpu.memory_space<hbm>> -> memref<640xi32, #tpu.memory_space<hbm>>
      tpu.enqueue_dma source(%dma_start3A_115 : memref<640xi32, #tpu.memory_space<hbm>>) target(%arg15 : memref<640xi32, #tpu.memory_space<vmem>>) target_semaphore(%run_scoped3A : memref<!tpu.dma_semaphore, #tpu.memory_space<semaphore_mem>>)
      %dma_wait3A_116 = tpu.memref_slice %arg7[%mul3A_2] : memref<20480xi32, #tpu.memory_space<hbm>> -> memref<640xi32, #tpu.memory_space<hbm>>
      %dma_wait3A_117 = tpu.memref_slice %arg7[%mul3A_2] : memref<20480xi32, #tpu.memory_space<hbm>> -> memref<640xi32, #tpu.memory_space<hbm>>
      tpu.wait_dma2 semaphore(%run_scoped3A : memref<!tpu.dma_semaphore, #tpu.memory_space<semaphore_mem>>) src(%dma_wait3A_117 : memref<640xi32, #tpu.memory_space<hbm>>) dst(%arg15 : memref<640xi32, #tpu.memory_space<vmem>>)
      tpu.yield
    }) : () -> ()
    "tpu.region"() ({
      %run_scoped3A = tpu.sem_alloc : memref<!tpu.dma_semaphore, #tpu.memory_space<semaphore_mem>>
      tpu.enqueue_dma source(%arg8 : memref<16xi32, #tpu.memory_space<hbm>>) target(%arg18 : memref<16xi32, #tpu.memory_space<vmem>>) target_semaphore(%run_scoped3A : memref<!tpu.dma_semaphore, #tpu.memory_space<semaphore_mem>>)
      tpu.wait_dma2 semaphore(%run_scoped3A : memref<!tpu.dma_semaphore, #tpu.memory_space<semaphore_mem>>) src(%arg8 : memref<16xi32, #tpu.memory_space<hbm>>) dst(%arg18 : memref<16xi32, #tpu.memory_space<vmem>>)
      tpu.yield
    }) : () -> ()
    %get3A = arith.constant 0 : index
    %get3A_3 = tpu.vector_load %arg18[%get3A] {strides = array<i32>} : memref<16xi32, #tpu.memory_space<vmem>>, vector<16xi32>,
    %iota3A = tpu.iota {dimensions = array<i32: 0>} : vector<16xi32>
    %broadcast_in_dim3A = arith.constant 0 : i32
    %broadcast_in_dim3A_4 = vector.broadcast %broadcast_in_dim3A : i32 to vector<16xi32>
    %broadcast_in_dim3A_5 = arith.constant 1 : i32
    %broadcast_in_dim3A_6 = vector.broadcast %broadcast_in_dim3A_5 : i32 to vector<16xi32>
    %broadcast_in_dim3A_7 = arith.constant 2 : i32
    %broadcast_in_dim3A_8 = vector.broadcast %broadcast_in_dim3A_7 : i32 to vector<16xi32>
    %broadcast_in_dim3A_9 = arith.constant 3 : i32
    %broadcast_in_dim3A_10 = vector.broadcast %broadcast_in_dim3A_9 : i32 to vector<16xi32>
    %scan3A = arith.constant 0 : i32
    %scan3A_11 = arith.constant 0 : i32
    %scan3A_12 = arith.constant 40 : i32
    %scan3A_13 = arith.addi %scan3A_11, %scan3A_12 : i32
    %scan3A_14 = arith.constant 1 : i32
    scf.for %scan3A_114 = %scan3A_11 to %scan3A_13 step %scan3A_14  : i32 {
      %mul3A_115 = arith.constant 16 : i32
      %mul3A_116 = arith.muli %scan3A_114, %mul3A_115 : i32
      %add3A_117 = vector.broadcast %mul3A_116 : i32 to vector<16xi32>
      %add3A_118 = arith.addi %add3A_117, %iota3A : vector<16xi32>
      %gather3A = tpu.vector_load_idx %arg10[%add3A_118] : memref<640xf32, #tpu.memory_space<vmem>>[vector<16xi32>], vector<16xf32>,
      %gather3A_119 = tpu.vector_load_idx %arg11[%add3A_118] : memref<640xf32, #tpu.memory_space<vmem>>[vector<16xi32>], vector<16xf32>,
      %gather3A_120 = tpu.vector_load_idx %arg12[%add3A_118] : memref<640xf32, #tpu.memory_space<vmem>>[vector<16xi32>], vector<16xf32>,
      %gather3A_121 = tpu.vector_load_idx %arg13[%add3A_118] : memref<640xf32, #tpu.memory_space<vmem>>[vector<16xi32>], vector<16xf32>,
      tpu.vector_store_idx %arg16[%add3A_118, %broadcast_in_dim3A_4], %gather3A : memref<640x8xf32, #tpu.memory_space<vmem>>[vector<16xi32>, vector<16xi32>], vector<16xf32>,
      tpu.vector_store_idx %arg16[%add3A_118, %broadcast_in_dim3A_6], %gather3A_119 : memref<640x8xf32, #tpu.memory_space<vmem>>[vector<16xi32>, vector<16xi32>], vector<16xf32>,
      tpu.vector_store_idx %arg16[%add3A_118, %broadcast_in_dim3A_8], %gather3A_120 : memref<640x8xf32, #tpu.memory_space<vmem>>[vector<16xi32>, vector<16xi32>], vector<16xf32>,
      tpu.vector_store_idx %arg16[%add3A_118, %broadcast_in_dim3A_10], %gather3A_121 : memref<640x8xf32, #tpu.memory_space<vmem>>[vector<16xi32>, vector<16xi32>], vector<16xf32>,
      %gather3A_122 = tpu.vector_load_idx %arg14[%add3A_118] : memref<640xi32, #tpu.memory_space<vmem>>[vector<16xi32>], vector<16xi32>,
      %gather3A_123 = tpu.vector_load_idx %arg15[%add3A_118] : memref<640xi32, #tpu.memory_space<vmem>>[vector<16xi32>], vector<16xi32>,
      %gt3A = arith.constant 0 : i32
      %gt3A_124 = vector.broadcast %gt3A : i32 to vector<16xi32>
      %gt3A_125 = arith.cmpi sgt, %gather3A_123, %gt3A_124 : vector<16xi32>
      %add3A_126 = vector.broadcast %mul3A_2 : i32 to vector<16xi32>
      %add3A_127 = arith.addi %add3A_126, %add3A_118 : vector<16xi32>
      %sub3A = arith.subi %add3A_127, %gather3A_122 : vector<16xi32>
      %add3A_128 = arith.addi %get3A_3, %sub3A : vector<16xi32>
      %select_n3A = arith.select %gt3A_125, %gather3A_122, %add3A_128 : vector<16xi1>, vector<16xi32>
      %broadcast_in_dim3A_129 = arith.constant 0 : i32
      %broadcast_in_dim3A_130 = vector.broadcast %broadcast_in_dim3A_129 : i32 to vector<16xi32>
      %jit3A = arith.constant 8 : i32
      %div3A = arith.divsi %scan3A_114, %jit3A : i32
      %sign3A = arith.constant 0 : i32
      %sign3A_131 = arith.cmpi sgt, %scan3A_114, %sign3A : i32
      %sign3A_132 = arith.extui %sign3A_131 : i1 to i32
      %sign3A_133 = arith.constant 0 : i32
      %sign3A_134 = arith.cmpi slt, %scan3A_114, %sign3A_133 : i32
      %sign3A_135 = arith.extui %sign3A_134 : i1 to i32
      %sign3A_136 = arith.subi %sign3A_132, %sign3A_135 : i32
      %sign3A_137 = arith.constant 0 : i32
      %sign3A_138 = arith.cmpi sgt, %jit3A, %sign3A_137 : i32
      %sign3A_139 = arith.extui %sign3A_138 : i1 to i32
      %sign3A_140 = arith.constant 0 : i32
      %sign3A_141 = arith.cmpi slt, %jit3A, %sign3A_140 : i32
      %sign3A_142 = arith.extui %sign3A_141 : i1 to i32
      %sign3A_143 = arith.subi %sign3A_139, %sign3A_142 : i32
      %ne3A = arith.cmpi ne, %sign3A_136, %sign3A_143 : i32
      %rem3A = arith.remsi %scan3A_114, %jit3A : i32
      %ne3A_144 = arith.constant 0 : i32
      %ne3A_145 = arith.cmpi ne, %rem3A, %ne3A_144 : i32
      %and3A = arith.andi %ne3A, %ne3A_145 : i1
      %sub3A_146 = arith.constant 1 : i32
      %sub3A_147 = arith.subi %div3A, %sub3A_146 : i32
      %select_n3A_148 = arith.select %and3A, %sub3A_147, %div3A : i32
      %add3A_149 = vector.broadcast %select_n3A_148 : i32 to vector<16xi32>
      %add3A_150 = arith.addi %broadcast_in_dim3A_130, %add3A_149 : vector<16xi32>
      %jit3A_151 = arith.constant 8 : i32
      %eq3A = arith.constant 0 : i32
      %eq3A_152 = arith.cmpi eq, %jit3A_151, %eq3A : i32
      %jit3A_153 = arith.constant 1 : i32
      %select_n3A_154 = arith.select %eq3A_152, %jit3A_153, %jit3A_151 : i32
      %rem3A_155 = arith.remsi %scan3A_114, %select_n3A_154 : i32
      %ne3A_156 = arith.constant 0 : i32
      %ne3A_157 = arith.cmpi ne, %rem3A_155, %ne3A_156 : i32
      %lt3A = arith.constant 0 : i32
      %lt3A_158 = arith.cmpi slt, %rem3A_155, %lt3A : i32
      %lt3A_159 = arith.constant 0 : i32
      %lt3A_160 = arith.cmpi slt, %select_n3A_154, %lt3A_159 : i32
      %ne3A_161 = arith.xori %lt3A_158, %lt3A_160 : i1
      %and3A_162 = arith.andi %ne3A_161, %ne3A_157 : i1
      %add3A_163 = arith.addi %rem3A_155, %select_n3A_154 : i32
      %select_n3A_164 = arith.select %and3A_162, %add3A_163, %rem3A_155 : i32
      %mul3A_165 = arith.constant 16 : i32
      %mul3A_166 = arith.muli %select_n3A_164, %mul3A_165 : i32
      %add3A_167 = vector.broadcast %mul3A_166 : i32 to vector<16xi32>
      %add3A_168 = arith.addi %add3A_167, %iota3A : vector<16xi32>
      tpu.vector_store_idx %arg17[%add3A_150, %add3A_168], %select_n3A : memref<5x128xi32, #tpu.memory_space<vmem>>[vector<16xi32>, vector<16xi32>], vector<16xi32>,
    }
    %scan3A_15 = arith.constant 40 : i32
    %dma_start3A = arith.constant 0 : i32
    %dma_start3A_16 = arith.constant 0 : i32
    %dma_start3A_17 = arith.constant 0 : i32
    %dma_start3A_18 = tpu.memref_slice %arg16[%dma_start3A_16, %dma_start3A_17] : memref<640x8xf32, #tpu.memory_space<vmem>> -> memref<128x8xf32, #tpu.memory_space<vmem>>
    %dma_start3A_19 = arith.constant 0 : i32
    %dma_start3A_20 = tpu.memref_slice %arg17[%dma_start3A, %dma_start3A_19] : memref<5x128xi32, #tpu.memory_space<vmem>> -> memref<1x128xi32, #tpu.memory_space<vmem>>
    %dma_start3A_21 = tpu.memref_squeeze %dma_start3A_20 : memref<1x128xi32, #tpu.memory_space<vmem>> -> memref<128xi32, #tpu.memory_space<vmem>>
    %dma_start3A_22 = arith.constant 0 : i32
    %dma_start3A_23 = arith.constant 0 : i32
    %dma_start3A_24 = tpu.memref_slice %arg9[%dma_start3A_22, %dma_start3A_23] : memref<20480x8xf32, #tpu.memory_space<hbm>> -> memref<20480x8xf32, #tpu.memory_space<hbm>>
    tpu.enqueue_indirect_dma source(%dma_start3A_18 : memref<128x8xf32, #tpu.memory_space<vmem>>) target(%dma_start3A_24 : memref<20480x8xf32, #tpu.memory_space<hbm>>) offsets(%dma_start3A_21 : memref<128xi32, #tpu.memory_space<vmem>>) semaphore(%arg19 : memref<!tpu.dma_semaphore, #tpu.memory_space<semaphore_mem>>)
    %dma_start3A_25 = arith.constant 1 : i32
    %dma_start3A_26 = arith.constant 128 : i32
    %dma_start3A_27 = arith.constant 0 : i32
    %dma_start3A_28 = tpu.memref_slice %arg16[%dma_start3A_26, %dma_start3A_27] : memref<640x8xf32, #tpu.memory_space<vmem>> -> memref<128x8xf32, #tpu.memory_space<vmem>>
    %dma_start3A_29 = arith.constant 0 : i32
    %dma_start3A_30 = tpu.memref_slice %arg17[%dma_start3A_25, %dma_start3A_29] : memref<5x128xi32, #tpu.memory_space<vmem>> -> memref<1x128xi32, #tpu.memory_space<vmem>>
    %dma_start3A_31 = tpu.memref_squeeze %dma_start3A_30 : memref<1x128xi32, #tpu.memory_space<vmem>> -> memref<128xi32, #tpu.memory_space<vmem>>
    %dma_start3A_32 = arith.constant 0 : i32
    %dma_start3A_33 = arith.constant 0 : i32
    %dma_start3A_34 = tpu.memref_slice %arg9[%dma_start3A_32, %dma_start3A_33] : memref<20480x8xf32, #tpu.memory_space<hbm>> -> memref<20480x8xf32, #tpu.memory_space<hbm>>
    tpu.enqueue_indirect_dma source(%dma_start3A_28 : memref<128x8xf32, #tpu.memory_space<vmem>>) target(%dma_start3A_34 : memref<20480x8xf32, #tpu.memory_space<hbm>>) offsets(%dma_start3A_31 : memref<128xi32, #tpu.memory_space<vmem>>) semaphore(%arg19 : memref<!tpu.dma_semaphore, #tpu.memory_space<semaphore_mem>>)
    %dma_start3A_35 = arith.constant 2 : i32
    %dma_start3A_36 = arith.constant 256 : i32
    %dma_start3A_37 = arith.constant 0 : i32
    %dma_start3A_38 = tpu.memref_slice %arg16[%dma_start3A_36, %dma_start3A_37] : memref<640x8xf32, #tpu.memory_space<vmem>> -> memref<128x8xf32, #tpu.memory_space<vmem>>
    %dma_start3A_39 = arith.constant 0 : i32
    %dma_start3A_40 = tpu.memref_slice %arg17[%dma_start3A_35, %dma_start3A_39] : memref<5x128xi32, #tpu.memory_space<vmem>> -> memref<1x128xi32, #tpu.memory_space<vmem>>
    %dma_start3A_41 = tpu.memref_squeeze %dma_start3A_40 : memref<1x128xi32, #tpu.memory_space<vmem>> -> memref<128xi32, #tpu.memory_space<vmem>>
    %dma_start3A_42 = arith.constant 0 : i32
    %dma_start3A_43 = arith.constant 0 : i32
    %dma_start3A_44 = tpu.memref_slice %arg9[%dma_start3A_42, %dma_start3A_43] : memref<20480x8xf32, #tpu.memory_space<hbm>> -> memref<20480x8xf32, #tpu.memory_space<hbm>>
    tpu.enqueue_indirect_dma source(%dma_start3A_38 : memref<128x8xf32, #tpu.memory_space<vmem>>) target(%dma_start3A_44 : memref<20480x8xf32, #tpu.memory_space<hbm>>) offsets(%dma_start3A_41 : memref<128xi32, #tpu.memory_space<vmem>>) semaphore(%arg19 : memref<!tpu.dma_semaphore, #tpu.memory_space<semaphore_mem>>)
    %dma_start3A_45 = arith.constant 3 : i32
    %dma_start3A_46 = arith.constant 384 : i32
    %dma_start3A_47 = arith.constant 0 : i32
    %dma_start3A_48 = tpu.memref_slice %arg16[%dma_start3A_46, %dma_start3A_47] : memref<640x8xf32, #tpu.memory_space<vmem>> -> memref<128x8xf32, #tpu.memory_space<vmem>>
    %dma_start3A_49 = arith.constant 0 : i32
    %dma_start3A_50 = tpu.memref_slice %arg17[%dma_start3A_45, %dma_start3A_49] : memref<5x128xi32, #tpu.memory_space<vmem>> -> memref<1x128xi32, #tpu.memory_space<vmem>>
    %dma_start3A_51 = tpu.memref_squeeze %dma_start3A_50 : memref<1x128xi32, #tpu.memory_space<vmem>> -> memref<128xi32, #tpu.memory_space<vmem>>
    %dma_start3A_52 = arith.constant 0 : i32
    %dma_start3A_53 = arith.constant 0 : i32
    %dma_start3A_54 = tpu.memref_slice %arg9[%dma_start3A_52, %dma_start3A_53] : memref<20480x8xf32, #tpu.memory_space<hbm>> -> memref<20480x8xf32, #tpu.memory_space<hbm>>
    tpu.enqueue_indirect_dma source(%dma_start3A_48 : memref<128x8xf32, #tpu.memory_space<vmem>>) target(%dma_start3A_54 : memref<20480x8xf32, #tpu.memory_space<hbm>>) offsets(%dma_start3A_51 : memref<128xi32, #tpu.memory_space<vmem>>) semaphore(%arg19 : memref<!tpu.dma_semaphore, #tpu.memory_space<semaphore_mem>>)
    %dma_start3A_55 = arith.constant 4 : i32
    %dma_start3A_56 = arith.constant 512 : i32
    %dma_start3A_57 = arith.constant 0 : i32
    %dma_start3A_58 = tpu.memref_slice %arg16[%dma_start3A_56, %dma_start3A_57] : memref<640x8xf32, #tpu.memory_space<vmem>> -> memref<128x8xf32, #tpu.memory_space<vmem>>
    %dma_start3A_59 = arith.constant 0 : i32
    %dma_start3A_60 = tpu.memref_slice %arg17[%dma_start3A_55, %dma_start3A_59] : memref<5x128xi32, #tpu.memory_space<vmem>> -> memref<1x128xi32, #tpu.memory_space<vmem>>
    %dma_start3A_61 = tpu.memref_squeeze %dma_start3A_60 : memref<1x128xi32, #tpu.memory_space<vmem>> -> memref<128xi32, #tpu.memory_space<vmem>>
    %dma_start3A_62 = arith.constant 0 : i32
    %dma_start3A_63 = arith.constant 0 : i32
    %dma_start3A_64 = tpu.memref_slice %arg9[%dma_start3A_62, %dma_start3A_63] : memref<20480x8xf32, #tpu.memory_space<hbm>> -> memref<20480x8xf32, #tpu.memory_space<hbm>>
    tpu.enqueue_indirect_dma source(%dma_start3A_58 : memref<128x8xf32, #tpu.memory_space<vmem>>) target(%dma_start3A_64 : memref<20480x8xf32, #tpu.memory_space<hbm>>) offsets(%dma_start3A_61 : memref<128xi32, #tpu.memory_space<vmem>>) semaphore(%arg19 : memref<!tpu.dma_semaphore, #tpu.memory_space<semaphore_mem>>)
    %dma_wait3A = arith.constant 0 : i32
    %dma_wait3A_65 = arith.constant 0 : i32
    %dma_wait3A_66 = arith.constant 0 : i32
    %dma_wait3A_67 = tpu.memref_slice %arg16[%dma_wait3A_65, %dma_wait3A_66] : memref<640x8xf32, #tpu.memory_space<vmem>> -> memref<128x8xf32, #tpu.memory_space<vmem>>
    %dma_wait3A_68 = arith.constant 0 : i32
    %dma_wait3A_69 = tpu.memref_slice %arg17[%dma_wait3A, %dma_wait3A_68] : memref<5x128xi32, #tpu.memory_space<vmem>> -> memref<1x128xi32, #tpu.memory_space<vmem>>
    %dma_wait3A_70 = tpu.memref_squeeze %dma_wait3A_69 : memref<1x128xi32, #tpu.memory_space<vmem>> -> memref<128xi32, #tpu.memory_space<vmem>>
    %dma_wait3A_71 = arith.constant 0 : i32
    %dma_wait3A_72 = arith.constant 0 : i32
    %dma_wait3A_73 = tpu.memref_slice %arg9[%dma_wait3A_71, %dma_wait3A_72] : memref<20480x8xf32, #tpu.memory_space<hbm>> -> memref<20480x8xf32, #tpu.memory_space<hbm>>
    tpu.wait_indirect_dma semaphore(%arg19 : memref<!tpu.dma_semaphore, #tpu.memory_space<semaphore_mem>>) src(%dma_wait3A_67 : memref<128x8xf32, #tpu.memory_space<vmem>>) dst(%dma_wait3A_73 : memref<20480x8xf32, #tpu.memory_space<hbm>>)
    %dma_wait3A_74 = arith.constant 1 : i32
    %dma_wait3A_75 = arith.constant 128 : i32
    %dma_wait3A_76 = arith.constant 0 : i32
    %dma_wait3A_77 = tpu.memref_slice %arg16[%dma_wait3A_75, %dma_wait3A_76] : memref<640x8xf32, #tpu.memory_space<vmem>> -> memref<128x8xf32, #tpu.memory_space<vmem>>
    %dma_wait3A_78 = arith.constant 0 : i32
    %dma_wait3A_79 = tpu.memref_slice %arg17[%dma_wait3A_74, %dma_wait3A_78] : memref<5x128xi32, #tpu.memory_space<vmem>> -> memref<1x128xi32, #tpu.memory_space<vmem>>
    %dma_wait3A_80 = tpu.memref_squeeze %dma_wait3A_79 : memref<1x128xi32, #tpu.memory_space<vmem>> -> memref<128xi32, #tpu.memory_space<vmem>>
    %dma_wait3A_81 = arith.constant 0 : i32
    %dma_wait3A_82 = arith.constant 0 : i32
    %dma_wait3A_83 = tpu.memref_slice %arg9[%dma_wait3A_81, %dma_wait3A_82] : memref<20480x8xf32, #tpu.memory_space<hbm>> -> memref<20480x8xf32, #tpu.memory_space<hbm>>
    tpu.wait_indirect_dma semaphore(%arg19 : memref<!tpu.dma_semaphore, #tpu.memory_space<semaphore_mem>>) src(%dma_wait3A_77 : memref<128x8xf32, #tpu.memory_space<vmem>>) dst(%dma_wait3A_83 : memref<20480x8xf32, #tpu.memory_space<hbm>>)
    %dma_wait3A_84 = arith.constant 2 : i32
    %dma_wait3A_85 = arith.constant 256 : i32
    %dma_wait3A_86 = arith.constant 0 : i32
    %dma_wait3A_87 = tpu.memref_slice %arg16[%dma_wait3A_85, %dma_wait3A_86] : memref<640x8xf32, #tpu.memory_space<vmem>> -> memref<128x8xf32, #tpu.memory_space<vmem>>
    %dma_wait3A_88 = arith.constant 0 : i32
    %dma_wait3A_89 = tpu.memref_slice %arg17[%dma_wait3A_84, %dma_wait3A_88] : memref<5x128xi32, #tpu.memory_space<vmem>> -> memref<1x128xi32, #tpu.memory_space<vmem>>
    %dma_wait3A_90 = tpu.memref_squeeze %dma_wait3A_89 : memref<1x128xi32, #tpu.memory_space<vmem>> -> memref<128xi32, #tpu.memory_space<vmem>>
    %dma_wait3A_91 = arith.constant 0 : i32
    %dma_wait3A_92 = arith.constant 0 : i32
    %dma_wait3A_93 = tpu.memref_slice %arg9[%dma_wait3A_91, %dma_wait3A_92] : memref<20480x8xf32, #tpu.memory_space<hbm>> -> memref<20480x8xf32, #tpu.memory_space<hbm>>
    tpu.wait_indirect_dma semaphore(%arg19 : memref<!tpu.dma_semaphore, #tpu.memory_space<semaphore_mem>>) src(%dma_wait3A_87 : memref<128x8xf32, #tpu.memory_space<vmem>>) dst(%dma_wait3A_93 : memref<20480x8xf32, #tpu.memory_space<hbm>>)
    %dma_wait3A_94 = arith.constant 3 : i32
    %dma_wait3A_95 = arith.constant 384 : i32
    %dma_wait3A_96 = arith.constant 0 : i32
    %dma_wait3A_97 = tpu.memref_slice %arg16[%dma_wait3A_95, %dma_wait3A_96] : memref<640x8xf32, #tpu.memory_space<vmem>> -> memref<128x8xf32, #tpu.memory_space<vmem>>
    %dma_wait3A_98 = arith.constant 0 : i32
    %dma_wait3A_99 = tpu.memref_slice %arg17[%dma_wait3A_94, %dma_wait3A_98] : memref<5x128xi32, #tpu.memory_space<vmem>> -> memref<1x128xi32, #tpu.memory_space<vmem>>
    %dma_wait3A_100 = tpu.memref_squeeze %dma_wait3A_99 : memref<1x128xi32, #tpu.memory_space<vmem>> -> memref<128xi32, #tpu.memory_space<vmem>>
    %dma_wait3A_101 = arith.constant 0 : i32
    %dma_wait3A_102 = arith.constant 0 : i32
    %dma_wait3A_103 = tpu.memref_slice %arg9[%dma_wait3A_101, %dma_wait3A_102] : memref<20480x8xf32, #tpu.memory_space<hbm>> -> memref<20480x8xf32, #tpu.memory_space<hbm>>
    tpu.wait_indirect_dma semaphore(%arg19 : memref<!tpu.dma_semaphore, #tpu.memory_space<semaphore_mem>>) src(%dma_wait3A_97 : memref<128x8xf32, #tpu.memory_space<vmem>>) dst(%dma_wait3A_103 : memref<20480x8xf32, #tpu.memory_space<hbm>>)
    %dma_wait3A_104 = arith.constant 4 : i32
    %dma_wait3A_105 = arith.constant 512 : i32
    %dma_wait3A_106 = arith.constant 0 : i32
    %dma_wait3A_107 = tpu.memref_slice %arg16[%dma_wait3A_105, %dma_wait3A_106] : memref<640x8xf32, #tpu.memory_space<vmem>> -> memref<128x8xf32, #tpu.memory_space<vmem>>
    %dma_wait3A_108 = arith.constant 0 : i32
    %dma_wait3A_109 = tpu.memref_slice %arg17[%dma_wait3A_104, %dma_wait3A_108] : memref<5x128xi32, #tpu.memory_space<vmem>> -> memref<1x128xi32, #tpu.memory_space<vmem>>
    %dma_wait3A_110 = tpu.memref_squeeze %dma_wait3A_109 : memref<1x128xi32, #tpu.memory_space<vmem>> -> memref<128xi32, #tpu.memory_space<vmem>>
    %dma_wait3A_111 = arith.constant 0 : i32
    %dma_wait3A_112 = arith.constant 0 : i32
    %dma_wait3A_113 = tpu.memref_slice %arg9[%dma_wait3A_111, %dma_wait3A_112] : memref<20480x8xf32, #tpu.memory_space<hbm>> -> memref<20480x8xf32, #tpu.memory_space<hbm>>
    tpu.wait_indirect_dma semaphore(%arg19 : memref<!tpu.dma_semaphore, #tpu.memory_space<semaphore_mem>>) src(%dma_wait3A_107 : memref<128x8xf32, #tpu.memory_space<vmem>>) dst(%dma_wait3A_113 : memref<20480x8xf32, #tpu.memory_space<hbm>>)
    return
  }
}

module attributes {stable_mosaic.version = 14 : i64} {
  func.func @_tc_body(%arg0: i32, %arg1: memref<81x1x2048xf32, #tpu.memory_space<vmem>>, %arg2: memref<81x4x2048xf32, #tpu.memory_space<vmem>>, %arg3: memref<4x2048xf32, #tpu.memory_space<vmem>>, %arg4: memref<2048xf32, #tpu.memory_space<vmem>>, %arg5: memref<2048xf32, #tpu.memory_space<vmem>>, %arg6: memref<2048xf32, #tpu.memory_space<vmem>>, %arg7: memref<2048xf32, #tpu.memory_space<vmem>>, %arg8: memref<2048xi32, #tpu.memory_space<vmem>>, %arg9: memref<2048xi32, #tpu.memory_space<vmem>>, %arg10: memref<16xi32, #tpu.memory_space<vmem>>, %arg11: memref<1xi32, #tpu.memory_space<smem>>) attributes {dimension_semantics = [#tpu.dimension_semantics<arbitrary>], iteration_bounds = array<i64: 10>, scalar_prefetch = 0 : i64, scratch_operands = 1 : i64, tpu.core_type = #tpu.core_type<tc>, window_params = [{transform_indices = @transform_0, window_bounds = array<i64: 81, 1, 2048>}, {transform_indices = @transform_1, window_bounds = array<i64: 81, 4, 2048>}, {transform_indices = @transform_2, window_bounds = array<i64: 4, 2048>}, {transform_indices = @transform_3, window_bounds = array<i64: 2048>}, {transform_indices = @transform_4, window_bounds = array<i64: 2048>}, {transform_indices = @transform_5, window_bounds = array<i64: 2048>}, {transform_indices = @transform_6, window_bounds = array<i64: 2048>}, {transform_indices = @transform_7, window_bounds = array<i64: 2048>}, {transform_indices = @transform_8, window_bounds = array<i64: 2048>}, {pipeline_mode = #tpu.pipeline_mode<synchronous>, transform_indices = @transform_9, window_bounds = array<i64: 16>}]} {
    %eq3A = arith.constant 0 : i32
    %eq3A_0 = arith.cmpi eq, %arg0, %eq3A : i32
    %convert_element_type3A = arith.extui %eq3A_0 : i1 to i32
    %cond3A = arith.constant 0 : i32
    %cond3A_1 = arith.cmpi ne, %convert_element_type3A, %cond3A : i32
    scf.if %cond3A_1 {
      %swap3A_215 = arith.constant 0 : i32
      %swap3A_216 = arith.constant 0 : index
      %swap3A_217 = memref.load %arg11[%swap3A_216] : memref<1xi32, #tpu.memory_space<smem>>
      memref.store %swap3A_215, %arg11[%swap3A_216] : memref<1xi32, #tpu.memory_space<smem>>
    } else {
    }
    %get3A = arith.constant 0 : index
    %get3A_2 = arith.constant 0 : index
    %get3A_3 = arith.constant 0 : index
    %get3A_4 = vector.load %arg1[%get3A, %get3A_2, %get3A_3] : memref<81x1x2048xf32, #tpu.memory_space<vmem>>, vector<81x1x2048xf32>
    %reduce_max3A = arith.constant dense<0xFF800000> : vector<1x2048xf32>
    %reduce_max3A_5 = vector.multi_reduction <maximumf>, %get3A_4, %reduce_max3A [0] : vector<81x1x2048xf32> to vector<1x2048xf32>
    %broadcast_in_dim3A = vector.shape_cast %reduce_max3A_5 : vector<1x2048xf32> to vector<1x1x2048xf32>
    %iota3A = tpu.iota {dimensions = array<i32: 0>} : vector<81x1x2048xi32>
    %eq3A_6 = vector.broadcast %broadcast_in_dim3A : vector<1x1x2048xf32> to vector<81x1x2048xf32>
    %eq3A_7 = arith.cmpf oeq, %get3A_4, %eq3A_6 : vector<81x1x2048xf32>
    %jit3A = arith.constant 81 : i32
    %broadcast_in_dim3A_8 = vector.broadcast %jit3A : i32 to vector<81x1x2048xi32>
    %select_n3A = arith.select %eq3A_7, %iota3A, %broadcast_in_dim3A_8 : vector<81x1x2048xi1>, vector<81x1x2048xi32>
    %reduce_min3A = arith.constant dense<2147483647> : vector<1x2048xi32>
    %reduce_min3A_9 = vector.multi_reduction <minsi>, %select_n3A, %reduce_min3A [0] : vector<81x1x2048xi32> to vector<1x2048xi32>
    %broadcast_in_dim3A_10 = vector.shape_cast %reduce_min3A_9 : vector<1x2048xi32> to vector<1x1x2048xi32>
    %get3A_11 = arith.constant 0 : index
    %get3A_12 = arith.constant 0 : index
    %get3A_13 = arith.constant 0 : index
    %get3A_14 = vector.load %arg2[%get3A_11, %get3A_12, %get3A_13] : memref<81x4x2048xf32, #tpu.memory_space<vmem>>, vector<81x4x2048xf32>
    %iota3A_15 = tpu.iota {dimensions = array<i32: 0>} : vector<81x1x2048xi32>
    %eq3A_16 = vector.broadcast %broadcast_in_dim3A_10 : vector<1x1x2048xi32> to vector<81x1x2048xi32>
    %eq3A_17 = arith.cmpi eq, %iota3A_15, %eq3A_16 : vector<81x1x2048xi32>
    %jit3A_18 = arith.constant 0.000000e+00 : f32
    %broadcast_in_dim3A_19 = vector.shape_cast %eq3A_17 : vector<81x1x2048xi1> to vector<81x1x2048xi1>
    %broadcast_in_dim3A_20 = vector.broadcast %broadcast_in_dim3A_19 : vector<81x1x2048xi1> to vector<81x4x2048xi1>
    %broadcast_in_dim3A_21 = vector.broadcast %jit3A_18 : f32 to vector<81x4x2048xf32>
    %select_n3A_22 = arith.select %broadcast_in_dim3A_20, %get3A_14, %broadcast_in_dim3A_21 : vector<81x4x2048xi1>, vector<81x4x2048xf32>
    %reduce_sum3A = arith.constant dense<0.000000e+00> : vector<4x2048xf32>
    %reduce_sum3A_23 = vector.multi_reduction <add>, %select_n3A_22, %reduce_sum3A [0] : vector<81x4x2048xf32> to vector<4x2048xf32>
    %slice3A = vector.extract_strided_slice %reduce_sum3A_23 {offsets = [0, 0], sizes = [1, 2048], strides = [1, 1]} : vector<4x2048xf32> to vector<1x2048xf32>
    %mul3A = arith.constant 1.000000e-01 : f32
    %mul3A_24 = vector.broadcast %mul3A : f32 to vector<1x2048xf32>
    %mul3A_25 = arith.mulf %slice3A, %mul3A_24 : vector<1x2048xf32>
    %slice3A_26 = vector.extract_strided_slice %reduce_sum3A_23 {offsets = [1, 0], sizes = [1, 2048], strides = [1, 1]} : vector<4x2048xf32> to vector<1x2048xf32>
    %mul3A_27 = arith.constant 1.000000e-01 : f32
    %mul3A_28 = vector.broadcast %mul3A_27 : f32 to vector<1x2048xf32>
    %mul3A_29 = arith.mulf %slice3A_26, %mul3A_28 : vector<1x2048xf32>
    %slice3A_30 = vector.extract_strided_slice %reduce_sum3A_23 {offsets = [2, 0], sizes = [1, 2048], strides = [1, 1]} : vector<4x2048xf32> to vector<1x2048xf32>
    %mul3A_31 = arith.constant 2.000000e-01 : f32
    %mul3A_32 = vector.broadcast %mul3A_31 : f32 to vector<1x2048xf32>
    %mul3A_33 = arith.mulf %slice3A_30, %mul3A_32 : vector<1x2048xf32>
    %jit3A_34 = arith.constant -4.13516665 : f32
    %jit3A_35 = arith.constant 4.13516665 : f32
    %max3A = vector.broadcast %jit3A_34 : f32 to vector<1x2048xf32>
    %max3A_36 = arith.maximumf %max3A, %mul3A_33 : vector<1x2048xf32>
    %min3A = vector.broadcast %jit3A_35 : f32 to vector<1x2048xf32>
    %min3A_37 = arith.minimumf %min3A, %max3A_36 : vector<1x2048xf32>
    %slice3A_38 = vector.extract_strided_slice %reduce_sum3A_23 {offsets = [3, 0], sizes = [1, 2048], strides = [1, 1]} : vector<4x2048xf32> to vector<1x2048xf32>
    %mul3A_39 = arith.constant 2.000000e-01 : f32
    %mul3A_40 = vector.broadcast %mul3A_39 : f32 to vector<1x2048xf32>
    %mul3A_41 = arith.mulf %slice3A_38, %mul3A_40 : vector<1x2048xf32>
    %jit3A_42 = arith.constant -4.13516665 : f32
    %jit3A_43 = arith.constant 4.13516665 : f32
    %max3A_44 = vector.broadcast %jit3A_42 : f32 to vector<1x2048xf32>
    %max3A_45 = arith.maximumf %max3A_44, %mul3A_41 : vector<1x2048xf32>
    %min3A_46 = vector.broadcast %jit3A_43 : f32 to vector<1x2048xf32>
    %min3A_47 = arith.minimumf %min3A_46, %max3A_45 : vector<1x2048xf32>
    %get3A_48 = arith.constant 0 : index
    %get3A_49 = arith.constant 0 : index
    %get3A_50 = vector.load %arg3[%get3A_48, %get3A_49] : memref<4x2048xf32, #tpu.memory_space<vmem>>, vector<4x2048xf32>
    %slice3A_51 = vector.extract_strided_slice %get3A_50 {offsets = [0, 0], sizes = [1, 2048], strides = [1, 1]} : vector<4x2048xf32> to vector<1x2048xf32>
    %slice3A_52 = vector.extract_strided_slice %get3A_50 {offsets = [1, 0], sizes = [1, 2048], strides = [1, 1]} : vector<4x2048xf32> to vector<1x2048xf32>
    %slice3A_53 = vector.extract_strided_slice %get3A_50 {offsets = [2, 0], sizes = [1, 2048], strides = [1, 1]} : vector<4x2048xf32> to vector<1x2048xf32>
    %slice3A_54 = vector.extract_strided_slice %get3A_50 {offsets = [3, 0], sizes = [1, 2048], strides = [1, 1]} : vector<4x2048xf32> to vector<1x2048xf32>
    %add3A = arith.addf %slice3A_51, %slice3A_53 : vector<1x2048xf32>
    %mul3A_55 = arith.constant 5.000000e-01 : f32
    %mul3A_56 = vector.broadcast %mul3A_55 : f32 to vector<1x2048xf32>
    %mul3A_57 = arith.mulf %add3A, %mul3A_56 : vector<1x2048xf32>
    %add3A_58 = arith.addf %slice3A_52, %slice3A_54 : vector<1x2048xf32>
    %mul3A_59 = arith.constant 5.000000e-01 : f32
    %mul3A_60 = vector.broadcast %mul3A_59 : f32 to vector<1x2048xf32>
    %mul3A_61 = arith.mulf %add3A_58, %mul3A_60 : vector<1x2048xf32>
    %sub3A = arith.subf %slice3A_53, %slice3A_51 : vector<1x2048xf32>
    %sub3A_62 = arith.subf %slice3A_54, %slice3A_52 : vector<1x2048xf32>
    %exp3A = math.exp %min3A_37 : vector<1x2048xf32>
    %mul3A_63 = arith.mulf %sub3A, %exp3A : vector<1x2048xf32>
    %exp3A_64 = math.exp %min3A_47 : vector<1x2048xf32>
    %mul3A_65 = arith.mulf %sub3A_62, %exp3A_64 : vector<1x2048xf32>
    %mul3A_66 = arith.mulf %sub3A, %mul3A_25 : vector<1x2048xf32>
    %add3A_67 = arith.addf %mul3A_57, %mul3A_66 : vector<1x2048xf32>
    %mul3A_68 = arith.mulf %sub3A_62, %mul3A_29 : vector<1x2048xf32>
    %add3A_69 = arith.addf %mul3A_61, %mul3A_68 : vector<1x2048xf32>
    %mul3A_70 = arith.constant 5.000000e-01 : f32
    %mul3A_71 = vector.broadcast %mul3A_70 : f32 to vector<1x2048xf32>
    %mul3A_72 = arith.mulf %mul3A_63, %mul3A_71 : vector<1x2048xf32>
    %sub3A_73 = arith.subf %add3A_67, %mul3A_72 : vector<1x2048xf32>
    %jit3A_74 = arith.constant 0.000000e+00 : f32
    %jit3A_75 = arith.constant 1.000000e+00 : f32
    %max3A_76 = vector.broadcast %jit3A_74 : f32 to vector<1x2048xf32>
    %max3A_77 = arith.maximumf %max3A_76, %sub3A_73 : vector<1x2048xf32>
    %min3A_78 = vector.broadcast %jit3A_75 : f32 to vector<1x2048xf32>
    %min3A_79 = arith.minimumf %min3A_78, %max3A_77 : vector<1x2048xf32>
    %mul3A_80 = arith.constant 5.000000e-01 : f32
    %mul3A_81 = vector.broadcast %mul3A_80 : f32 to vector<1x2048xf32>
    %mul3A_82 = arith.mulf %mul3A_65, %mul3A_81 : vector<1x2048xf32>
    %sub3A_83 = arith.subf %add3A_69, %mul3A_82 : vector<1x2048xf32>
    %jit3A_84 = arith.constant 0.000000e+00 : f32
    %jit3A_85 = arith.constant 1.000000e+00 : f32
    %max3A_86 = vector.broadcast %jit3A_84 : f32 to vector<1x2048xf32>
    %max3A_87 = arith.maximumf %max3A_86, %sub3A_83 : vector<1x2048xf32>
    %min3A_88 = vector.broadcast %jit3A_85 : f32 to vector<1x2048xf32>
    %min3A_89 = arith.minimumf %min3A_88, %max3A_87 : vector<1x2048xf32>
    %mul3A_90 = arith.constant 5.000000e-01 : f32
    %mul3A_91 = vector.broadcast %mul3A_90 : f32 to vector<1x2048xf32>
    %mul3A_92 = arith.mulf %mul3A_63, %mul3A_91 : vector<1x2048xf32>
    %add3A_93 = arith.addf %add3A_67, %mul3A_92 : vector<1x2048xf32>
    %jit3A_94 = arith.constant 0.000000e+00 : f32
    %jit3A_95 = arith.constant 1.000000e+00 : f32
    %max3A_96 = vector.broadcast %jit3A_94 : f32 to vector<1x2048xf32>
    %max3A_97 = arith.maximumf %max3A_96, %add3A_93 : vector<1x2048xf32>
    %min3A_98 = vector.broadcast %jit3A_95 : f32 to vector<1x2048xf32>
    %min3A_99 = arith.minimumf %min3A_98, %max3A_97 : vector<1x2048xf32>
    %mul3A_100 = arith.constant 5.000000e-01 : f32
    %mul3A_101 = vector.broadcast %mul3A_100 : f32 to vector<1x2048xf32>
    %mul3A_102 = arith.mulf %mul3A_65, %mul3A_101 : vector<1x2048xf32>
    %add3A_103 = arith.addf %add3A_69, %mul3A_102 : vector<1x2048xf32>
    %jit3A_104 = arith.constant 0.000000e+00 : f32
    %jit3A_105 = arith.constant 1.000000e+00 : f32
    %max3A_106 = vector.broadcast %jit3A_104 : f32 to vector<1x2048xf32>
    %max3A_107 = arith.maximumf %max3A_106, %add3A_103 : vector<1x2048xf32>
    %min3A_108 = vector.broadcast %jit3A_105 : f32 to vector<1x2048xf32>
    %min3A_109 = arith.minimumf %min3A_108, %max3A_107 : vector<1x2048xf32>
    %iota3A_110 = tpu.iota {dimensions = array<i32: 1>} : vector<1x2048xi32>
    %mul3A_111 = arith.constant 2048 : i32
    %mul3A_112 = arith.muli %arg0, %mul3A_111 : i32
    %add3A_113 = vector.broadcast %mul3A_112 : i32 to vector<1x2048xi32>
    %add3A_114 = arith.addi %iota3A_110, %add3A_113 : vector<1x2048xi32>
    %reduce_max3A_115 = arith.constant dense<0xFF800000> : vector<2048xf32>
    %reduce_max3A_116 = vector.multi_reduction <maximumf>, %get3A_50, %reduce_max3A_115 [0] : vector<4x2048xf32> to vector<2048xf32>
    %broadcast_in_dim3A_117 = vector.shape_cast %reduce_max3A_116 : vector<2048xf32> to vector<1x2048xf32>
    %gt3A = arith.constant 0.000000e+00 : f32
    %gt3A_118 = vector.broadcast %gt3A : f32 to vector<1x2048xf32>
    %gt3A_119 = arith.cmpf ogt, %broadcast_in_dim3A_117, %gt3A_118 : vector<1x2048xf32>
    %lt3A = arith.constant 20000 : i32
    %lt3A_120 = vector.broadcast %lt3A : i32 to vector<1x2048xi32>
    %lt3A_121 = arith.cmpi slt, %add3A_114, %lt3A_120 : vector<1x2048xi32>
    %and3A = arith.andi %gt3A_119, %lt3A_121 : vector<1x2048xi1>
    %broadcast_in_dim3A_122 = arith.constant 0.000000e+00 : f32
    %broadcast_in_dim3A_123 = vector.broadcast %broadcast_in_dim3A_122 : f32 to vector<1x2048xf32>
    %select_n3A_124 = arith.select %and3A, %min3A_79, %broadcast_in_dim3A_123 : vector<1x2048xi1>, vector<1x2048xf32>
    %select_n3A_125 = arith.select %and3A, %min3A_89, %broadcast_in_dim3A_123 : vector<1x2048xi1>, vector<1x2048xf32>
    %select_n3A_126 = arith.select %and3A, %min3A_99, %broadcast_in_dim3A_123 : vector<1x2048xi1>, vector<1x2048xf32>
    %select_n3A_127 = arith.select %and3A, %min3A_109, %broadcast_in_dim3A_123 : vector<1x2048xi1>, vector<1x2048xf32>
    %convert_element_type3A_128 = arith.extui %and3A : vector<1x2048xi1> to vector<1x2048xi32>
    %broadcast_in_dim3A_129 = arith.constant 0 : i32
    %broadcast_in_dim3A_130 = vector.broadcast %broadcast_in_dim3A_129 : i32 to vector<1x1xi32>
    %slice3A_131 = vector.extract_strided_slice %convert_element_type3A_128 {offsets = [0, 0], sizes = [1, 2047], strides = [1, 1]} : vector<1x2048xi32> to vector<1x2047xi32>
    %concatenate3A = tpu.concatenate %broadcast_in_dim3A_130, %slice3A_131 in 1 : vector<1x1xi32>, vector<1x2047xi32> -> vector<1x2048xi32>
    %add3A_132 = arith.addi %convert_element_type3A_128, %concatenate3A : vector<1x2048xi32>
    %broadcast_in_dim3A_133 = arith.constant 0 : i32
    %broadcast_in_dim3A_134 = vector.broadcast %broadcast_in_dim3A_133 : i32 to vector<1x2xi32>
    %slice3A_135 = vector.extract_strided_slice %add3A_132 {offsets = [0, 0], sizes = [1, 2046], strides = [1, 1]} : vector<1x2048xi32> to vector<1x2046xi32>
    %concatenate3A_136 = tpu.concatenate %broadcast_in_dim3A_134, %slice3A_135 in 1 : vector<1x2xi32>, vector<1x2046xi32> -> vector<1x2048xi32>
    %add3A_137 = arith.addi %add3A_132, %concatenate3A_136 : vector<1x2048xi32>
    %broadcast_in_dim3A_138 = arith.constant 0 : i32
    %broadcast_in_dim3A_139 = vector.broadcast %broadcast_in_dim3A_138 : i32 to vector<1x4xi32>
    %slice3A_140 = vector.extract_strided_slice %add3A_137 {offsets = [0, 0], sizes = [1, 2044], strides = [1, 1]} : vector<1x2048xi32> to vector<1x2044xi32>
    %concatenate3A_141 = tpu.concatenate %broadcast_in_dim3A_139, %slice3A_140 in 1 : vector<1x4xi32>, vector<1x2044xi32> -> vector<1x2048xi32>
    %add3A_142 = arith.addi %add3A_137, %concatenate3A_141 : vector<1x2048xi32>
    %broadcast_in_dim3A_143 = arith.constant 0 : i32
    %broadcast_in_dim3A_144 = vector.broadcast %broadcast_in_dim3A_143 : i32 to vector<1x8xi32>
    %slice3A_145 = vector.extract_strided_slice %add3A_142 {offsets = [0, 0], sizes = [1, 2040], strides = [1, 1]} : vector<1x2048xi32> to vector<1x2040xi32>
    %concatenate3A_146 = tpu.concatenate %broadcast_in_dim3A_144, %slice3A_145 in 1 : vector<1x8xi32>, vector<1x2040xi32> -> vector<1x2048xi32>
    %add3A_147 = arith.addi %add3A_142, %concatenate3A_146 : vector<1x2048xi32>
    %broadcast_in_dim3A_148 = arith.constant 0 : i32
    %broadcast_in_dim3A_149 = vector.broadcast %broadcast_in_dim3A_148 : i32 to vector<1x16xi32>
    %slice3A_150 = vector.extract_strided_slice %add3A_147 {offsets = [0, 0], sizes = [1, 2032], strides = [1, 1]} : vector<1x2048xi32> to vector<1x2032xi32>
    %concatenate3A_151 = tpu.concatenate %broadcast_in_dim3A_149, %slice3A_150 in 1 : vector<1x16xi32>, vector<1x2032xi32> -> vector<1x2048xi32>
    %add3A_152 = arith.addi %add3A_147, %concatenate3A_151 : vector<1x2048xi32>
    %broadcast_in_dim3A_153 = arith.constant 0 : i32
    %broadcast_in_dim3A_154 = vector.broadcast %broadcast_in_dim3A_153 : i32 to vector<1x32xi32>
    %slice3A_155 = vector.extract_strided_slice %add3A_152 {offsets = [0, 0], sizes = [1, 2016], strides = [1, 1]} : vector<1x2048xi32> to vector<1x2016xi32>
    %concatenate3A_156 = tpu.concatenate %broadcast_in_dim3A_154, %slice3A_155 in 1 : vector<1x32xi32>, vector<1x2016xi32> -> vector<1x2048xi32>
    %add3A_157 = arith.addi %add3A_152, %concatenate3A_156 : vector<1x2048xi32>
    %broadcast_in_dim3A_158 = arith.constant 0 : i32
    %broadcast_in_dim3A_159 = vector.broadcast %broadcast_in_dim3A_158 : i32 to vector<1x64xi32>
    %slice3A_160 = vector.extract_strided_slice %add3A_157 {offsets = [0, 0], sizes = [1, 1984], strides = [1, 1]} : vector<1x2048xi32> to vector<1x1984xi32>
    %concatenate3A_161 = tpu.concatenate %broadcast_in_dim3A_159, %slice3A_160 in 1 : vector<1x64xi32>, vector<1x1984xi32> -> vector<1x2048xi32>
    %add3A_162 = arith.addi %add3A_157, %concatenate3A_161 : vector<1x2048xi32>
    %broadcast_in_dim3A_163 = arith.constant 0 : i32
    %broadcast_in_dim3A_164 = vector.broadcast %broadcast_in_dim3A_163 : i32 to vector<1x128xi32>
    %slice3A_165 = vector.extract_strided_slice %add3A_162 {offsets = [0, 0], sizes = [1, 1920], strides = [1, 1]} : vector<1x2048xi32> to vector<1x1920xi32>
    %concatenate3A_166 = tpu.concatenate %broadcast_in_dim3A_164, %slice3A_165 in 1 : vector<1x128xi32>, vector<1x1920xi32> -> vector<1x2048xi32>
    %add3A_167 = arith.addi %add3A_162, %concatenate3A_166 : vector<1x2048xi32>
    %broadcast_in_dim3A_168 = arith.constant 0 : i32
    %broadcast_in_dim3A_169 = vector.broadcast %broadcast_in_dim3A_168 : i32 to vector<1x256xi32>
    %slice3A_170 = vector.extract_strided_slice %add3A_167 {offsets = [0, 0], sizes = [1, 1792], strides = [1, 1]} : vector<1x2048xi32> to vector<1x1792xi32>
    %concatenate3A_171 = tpu.concatenate %broadcast_in_dim3A_169, %slice3A_170 in 1 : vector<1x256xi32>, vector<1x1792xi32> -> vector<1x2048xi32>
    %add3A_172 = arith.addi %add3A_167, %concatenate3A_171 : vector<1x2048xi32>
    %broadcast_in_dim3A_173 = arith.constant 0 : i32
    %broadcast_in_dim3A_174 = vector.broadcast %broadcast_in_dim3A_173 : i32 to vector<1x512xi32>
    %slice3A_175 = vector.extract_strided_slice %add3A_172 {offsets = [0, 0], sizes = [1, 1536], strides = [1, 1]} : vector<1x2048xi32> to vector<1x1536xi32>
    %concatenate3A_176 = tpu.concatenate %broadcast_in_dim3A_174, %slice3A_175 in 1 : vector<1x512xi32>, vector<1x1536xi32> -> vector<1x2048xi32>
    %add3A_177 = arith.addi %add3A_172, %concatenate3A_176 : vector<1x2048xi32>
    %broadcast_in_dim3A_178 = arith.constant 0 : i32
    %broadcast_in_dim3A_179 = vector.broadcast %broadcast_in_dim3A_178 : i32 to vector<1x1024xi32>
    %slice3A_180 = vector.extract_strided_slice %add3A_177 {offsets = [0, 0], sizes = [1, 1024], strides = [1, 1]} : vector<1x2048xi32> to vector<1x1024xi32>
    %concatenate3A_181 = tpu.concatenate %broadcast_in_dim3A_179, %slice3A_180 in 1 : vector<1x1024xi32>, vector<1x1024xi32> -> vector<1x2048xi32>
    %add3A_182 = arith.addi %add3A_177, %concatenate3A_181 : vector<1x2048xi32>
    %get3A_183 = arith.constant 0 : index
    %get3A_184 = memref.load %arg11[%get3A_183] : memref<1xi32, #tpu.memory_space<smem>>
    %reduce_sum3A_185 = vector.shape_cast %convert_element_type3A_128 : vector<1x2048xi32> to vector<1x1x2048xi32>
    %reduce_sum3A_186 = arith.constant dense<0> : vector<1xi32>
    %reduce_sum3A_187 = vector.multi_reduction <add>, %reduce_sum3A_185, %reduce_sum3A_186 [1, 2] : vector<1x1x2048xi32> to vector<1xi32>
    %reduce_sum3A_188 = vector.shape_cast %reduce_sum3A_187 : vector<1xi32> to vector<1x1x1xi32>
    %reduce_sum3A_189 = vector.extract %reduce_sum3A_188[0, 0, 0] : i32 from vector<1x1x1xi32>
    %add3A_190 = arith.addi %get3A_184, %reduce_sum3A_189 : i32
    %swap3A = arith.constant 0 : index
    %swap3A_191 = memref.load %arg11[%swap3A] : memref<1xi32, #tpu.memory_space<smem>>
    memref.store %add3A_190, %arg11[%swap3A] : memref<1xi32, #tpu.memory_space<smem>>
    %reshape3A = vector.shape_cast %select_n3A_124 : vector<1x2048xf32> to vector<2048xf32>
    %swap3A_192 = arith.constant 0 : index
    %swap3A_193 = vector.load %arg4[%swap3A_192] : memref<2048xf32, #tpu.memory_space<vmem>>, vector<2048xf32>
    tpu.vector_store %arg4[%swap3A_192], %reshape3A {strides = array<i32>} : memref<2048xf32, #tpu.memory_space<vmem>>, vector<2048xf32>,
    %reshape3A_194 = vector.shape_cast %select_n3A_125 : vector<1x2048xf32> to vector<2048xf32>
    %swap3A_195 = arith.constant 0 : index
    %swap3A_196 = vector.load %arg5[%swap3A_195] : memref<2048xf32, #tpu.memory_space<vmem>>, vector<2048xf32>
    tpu.vector_store %arg5[%swap3A_195], %reshape3A_194 {strides = array<i32>} : memref<2048xf32, #tpu.memory_space<vmem>>, vector<2048xf32>,
    %reshape3A_197 = vector.shape_cast %select_n3A_126 : vector<1x2048xf32> to vector<2048xf32>
    %swap3A_198 = arith.constant 0 : index
    %swap3A_199 = vector.load %arg6[%swap3A_198] : memref<2048xf32, #tpu.memory_space<vmem>>, vector<2048xf32>
    tpu.vector_store %arg6[%swap3A_198], %reshape3A_197 {strides = array<i32>} : memref<2048xf32, #tpu.memory_space<vmem>>, vector<2048xf32>,
    %reshape3A_200 = vector.shape_cast %select_n3A_127 : vector<1x2048xf32> to vector<2048xf32>
    %swap3A_201 = arith.constant 0 : index
    %swap3A_202 = vector.load %arg7[%swap3A_201] : memref<2048xf32, #tpu.memory_space<vmem>>, vector<2048xf32>
    tpu.vector_store %arg7[%swap3A_201], %reshape3A_200 {strides = array<i32>} : memref<2048xf32, #tpu.memory_space<vmem>>, vector<2048xf32>,
    %sub3A_203 = arith.subi %add3A_182, %convert_element_type3A_128 : vector<1x2048xi32>
    %add3A_204 = vector.broadcast %get3A_184 : i32 to vector<1x2048xi32>
    %add3A_205 = arith.addi %sub3A_203, %add3A_204 : vector<1x2048xi32>
    %reshape3A_206 = vector.shape_cast %add3A_205 : vector<1x2048xi32> to vector<2048xi32>
    %swap3A_207 = arith.constant 0 : index
    %swap3A_208 = vector.load %arg8[%swap3A_207] : memref<2048xi32, #tpu.memory_space<vmem>>, vector<2048xi32>
    tpu.vector_store %arg8[%swap3A_207], %reshape3A_206 {strides = array<i32>} : memref<2048xi32, #tpu.memory_space<vmem>>, vector<2048xi32>,
    %reshape3A_209 = vector.shape_cast %convert_element_type3A_128 : vector<1x2048xi32> to vector<2048xi32>
    %swap3A_210 = arith.constant 0 : index
    %swap3A_211 = vector.load %arg9[%swap3A_210] : memref<2048xi32, #tpu.memory_space<vmem>>, vector<2048xi32>
    tpu.vector_store %arg9[%swap3A_210], %reshape3A_209 {strides = array<i32>} : memref<2048xi32, #tpu.memory_space<vmem>>, vector<2048xi32>,
    %broadcast_in_dim3A_212 = vector.broadcast %add3A_190 : i32 to vector<16xi32>
    %swap3A_213 = arith.constant 0 : index
    %swap3A_214 = vector.load %arg10[%swap3A_213] : memref<16xi32, #tpu.memory_space<vmem>>, vector<16xi32>
    tpu.vector_store %arg10[%swap3A_213], %broadcast_in_dim3A_212 {strides = array<i32>} : memref<16xi32, #tpu.memory_space<vmem>>, vector<16xi32>,
    return
  }
  func.func @transform_0(%arg0: i32) -> (i32, i32, i32) {
    %c0_i32 = arith.constant 0 : i32
    %c0_i32_0 = arith.constant 0 : i32
    %c0_i32_1 = arith.constant 0 : i32
    return %c0_i32, %c0_i32_0, %arg0 : i32, i32, i32
  }
  func.func @transform_1(%arg0: i32) -> (i32, i32, i32) {
    %c0_i32 = arith.constant 0 : i32
    %c0_i32_0 = arith.constant 0 : i32
    %c0_i32_1 = arith.constant 0 : i32
    return %c0_i32, %c0_i32_0, %arg0 : i32, i32, i32
  }
  func.func @transform_2(%arg0: i32) -> (i32, i32) {
    %c0_i32 = arith.constant 0 : i32
    %c0_i32_0 = arith.constant 0 : i32
    return %c0_i32, %arg0 : i32, i32
  }
  func.func @transform_3(%arg0: i32) -> i32 {
    %c0_i32 = arith.constant 0 : i32
    return %arg0 : i32
  }
  func.func @transform_4(%arg0: i32) -> i32 {
    %c0_i32 = arith.constant 0 : i32
    return %arg0 : i32
  }
  func.func @transform_5(%arg0: i32) -> i32 {
    %c0_i32 = arith.constant 0 : i32
    return %arg0 : i32
  }
  func.func @transform_6(%arg0: i32) -> i32 {
    %c0_i32 = arith.constant 0 : i32
    return %arg0 : i32
  }
  func.func @transform_7(%arg0: i32) -> i32 {
    %c0_i32 = arith.constant 0 : i32
    return %arg0 : i32
  }
  func.func @transform_8(%arg0: i32) -> i32 {
    %c0_i32 = arith.constant 0 : i32
    return %arg0 : i32
  }
  func.func @transform_9(%arg0: i32) -> i32 {
    %c0_i32 = arith.constant 0 : i32
    %c0_i32_0 = arith.constant 0 : i32
    return %c0_i32 : i32
  }
}

</mosaic_0001>

<sc_bundles>
// kernel: kernel.4.cloned.1.call-start
scs
__scs_entry_jumppad:
0x0: {  	(pc) =	sbr.rel $0x88, $3  }
0x1: {  	(tag) =	ssettag $0x0;
	lr =	simm.s32 $0x1  }
0x2: {  	[smem:$0x3F9E] =	sst lr;
	_ =	strace $0xD0000000  }
0x3: {  	_ = 	snop  }
0x4: {  	_ = 	snop  }
0x5: {  	_ = 	snop  }
0x6: {  	_ = 	snop  }
0x7: {  	_ = 	snop  }
__scs_overlays_trampoline_lowered:
0x8: {  	[smem:$0x3FAD] =	sst s0  }
0x9: {  	[smem:$0x3FAE] =	sst s1  }
0xa: {  	[smem:$0x3FAF] =	sst s2  }
0xb: {  	[smem:$0x3FB0] =	sst s3  }
0xc: {  	[smem:$0x3FB1] =	sst s4  }
0xd: {  	[smem:$0x3FB2] =	sst s5  }
0xe: {  	[smem:$0x3FB3] =	sst s6  }
0xf: {  	[smem:$0x3FB4] =	sst s7  }
0x10: {  	[smem:$0x3FB5] =	sst s8  }
0x11: {  	[smem:$0x3FB6] =	sst s9;
	s0 =	simm.s32 @!p0 $0x0  }
0x12: {  	s1 =	sld [smem:$0x3F9C];
	s0 =	simm.s32 @p0 $0x1  }
0x13: {  	[smem:$0x3FB7] =	sst s0;
	s0 =	simm.s32 @!p1 $0x0  }
0x14: {  	s2 =	sld [smem:$0x3F9B];
	s0 =	simm.s32 @p1 $0x1  }
0x15: {  	[smem:$0x3FB8] =	sst s0;
	s0 =	simm.s32 @!p2 $0x0  }
0x16: {  	s3 =	sld [smem:$0x3FDB];
	s0 =	simm.s32 @p2 $0x1  }
0x17: {  	s4 =	simm.s32 $0x1BF5;
	[smem:$0x3FBA] =	sst s0  }
0x18: {  	s0 =	sld [smem:$0x3F9D];
	_ =	swait.ge [sflag:s4], $0x0  }
0x19: {  	s7 =	sld [smem:$0x3F9E]  }
0x1a: {  	s8 =	sadd.s32 $0xFFFFE003, lr  }
0x1b: {  	s9 =	sadd.s32 $0xFFFFFEF7, lr;
	s5 =	simm.s32 $0xFFFFFFFF;
	p2 =	slt.u32 s8, $0xFFFFF086  }
0x1c: {  	p1 =	slt.u32 s9, $0xF7A;
	s5 =	simm.s32 @!p2 $0x0  }
0x1d: {  	s5 =	simm.s32 @p1 $0x1;
	p0 =	seq.s32 s7, s2  }
0x1e: {  	s7 =	smul.u32 @!p0 $0xF7A, s2;
	p2 =	seq.s32 @!p0 s5, $0x0  }
0x1f: {  	s9 =	smul.u32 $0xF7A, s1;
	s8 =	simm.s32 @!p0 $0x1BF5;
	p2 =	por !p2, p0  }
0x20: {  	[sflag:s8] =	ssyncset.s32 @!p0 $0xFFFFF086;
	s6 =	sadd.s32 @!p0 s3, s7;
	s7 =	simm.s32 @!p0 $0x108  }
0x21: {  	s3 =	sadd.s32 s3, s9;
	s6 =	sadd.s32 @!p0 $0x88, s6;
	s7 =	simm.s32 @p2 $0x1082  }
0x22: {  	[simem:s7], [sflag:s8] =	dma.local @!p0 [hbm:s6], $0xF7A  }
0x23: {  	s9 =	sor.u32 $0xD0000000, s2;
	s6 =	simm.s32 $0x108;
	_ =	swait.ge @!p0 [sflag:s8], $0x0  }
0x24: {  	s3 =	sadd.s32 $0x88, s3;
	s6 =	simm.s32 @!p1 $0x1082;
	[sflag:s4] =	ssyncset.s32 $0xFFFFF086  }
0x25: {  	[simem:s6], [sflag:s4] =	dma.local [hbm:s3], $0xF7A  }
0x26: {  	[smem:$0x3F9E] =	sst s1;
	(tag) =	ssettag s2;
	_ =	strace s9  }
0x27: {  	s1 =	sld [smem:$0x3FAE]  }
0x28: {  	s2 =	sld [smem:$0x3FAF]  }
0x29: {  	s4 =	sld [smem:$0x3FB1]  }
0x2a: {  	p0 =	seq.s32 s5, $0x0;
	s5 =	sld [smem:$0x3FB2]  }
0x2b: {  	s6 =	sld [smem:$0x3FB3]  }
0x2c: {  	s7 =	sld [smem:$0x3FB4]  }
0x2d: {  	s3 =	simm.s32 $0x108;
	s8 =	sld [smem:$0x3FB5]  }
0x2e: {  	s3 =	simm.s32 @!p0 $0x1082;
	s9 =	sld [smem:$0x3FB6]  }
0x2f: {  	lr =	sadd.s32 s0, s3;
	s0 =	sld [smem:$0x3FAD]  }
0x30: {  	s3 =	sld [smem:$0x3FB0]  }
0x31: {  	[smem:$0x3FB9] =	sst s10  }
0x32: {  	s10 =	sld [smem:$0x3FB7];
	_ =	sdelay $0x3  }
0x33: {  	p0 =	seq.s32 s10, $0x1;
	s10 =	sld [smem:$0x3FB9];
	_ =	sdelay $0x3  }
0x34: {  	[smem:$0x3FB9] =	sst s10  }
0x35: {  	s10 =	sld [smem:$0x3FB8];
	_ =	sdelay $0x3  }
0x36: {  	p1 =	seq.s32 s10, $0x1;
	s10 =	sld [smem:$0x3FB9];
	_ =	sdelay $0x3  }
0x37: {  	[smem:$0x3FB9] =	sst s10  }
0x38: {  	s10 =	sld [smem:$0x3FBA]  }
0x39: {  	_ = 	snop;
	(pc) =	sbr.ind lr, $3  }
0x3a: {  	_ = 	snop  }
0x3b: {  	_ = 	snop  }
0x3c: {  	p2 =	seq.s32 s10, $0x1;
	s10 =	sld [smem:$0x3FB9]  }
0x3d: {  	_ =	shalt  }
0x3e: {  	_ =	shalt  }
0x3f: {  	_ =	shalt  }
0x40: {  	_ =	shalt  }
0x41: {  	_ =	shalt  }
0x42: {  	_ =	shalt  }
0x43: {  	_ =	shalt  }
0x44: {  	_ =	shalt  }
0x45: {  	_ =	shalt  }
0x46: {  	_ =	shalt  }
0x47: {  	_ =	shalt  }
0x48: {  	_ =	shalt  }
0x49: {  	_ =	shalt  }
0x4a: {  	_ =	shalt  }
0x4b: {  	_ =	shalt  }
0x4c: {  	_ =	shalt  }
0x4d: {  	_ =	shalt  }
0x4e: {  	_ =	shalt  }
0x4f: {  	_ =	shalt  }
0x50: {  	_ =	shalt  }
0x51: {  	_ =	shalt  }
0x52: {  	_ =	shalt  }
0x53: {  	_ =	shalt  }
0x54: {  	_ =	shalt  }
0x55: {  	_ =	shalt  }
0x56: {  	_ =	shalt  }
0x57: {  	_ =	shalt  }
0x58: {  	_ =	shalt  }
0x59: {  	_ =	shalt  }
0x5a: {  	_ =	shalt  }
0x5b: {  	_ =	shalt  }
0x5c: {  	_ =	shalt  }
0x5d: {  	_ =	shalt  }
0x5e: {  	_ =	shalt  }
0x5f: {  	_ =	shalt  }
0x60: {  	_ =	shalt  }
0x61: {  	_ =	shalt  }
0x62: {  	_ =	shalt  }
0x63: {  	_ =	shalt  }
0x64: {  	_ =	shalt  }
0x65: {  	_ =	shalt  }
0x66: {  	_ =	shalt  }
0x67: {  	_ =	shalt  }
0x68: {  	_ =	shalt  }
0x69: {  	_ =	shalt  }
0x6a: {  	_ =	shalt  }
0x6b: {  	_ =	shalt  }
0x6c: {  	_ =	shalt  }
0x6d: {  	_ =	shalt  }
0x6e: {  	_ =	shalt  }
0x6f: {  	_ =	shalt  }
0x70: {  	_ =	shalt  }
0x71: {  	_ =	shalt  }
0x72: {  	_ =	shalt  }
0x73: {  	_ =	shalt  }
0x74: {  	_ =	shalt  }
0x75: {  	_ =	shalt  }
0x76: {  	_ =	shalt  }
0x77: {  	_ =	shalt  }
0x78: {  	_ =	shalt  }
0x79: {  	_ =	shalt  }
0x7a: {  	_ =	shalt  }
0x7b: {  	_ =	shalt  }
0x7c: {  	_ =	shalt  }
0x7d: {  	_ =	shalt  }
0x7e: {  	_ =	shalt  }
0x7f: {  	_ =	shalt  }
0x80: {  	_ =	shalt  }
0x81: {  	_ =	shalt  }
0x82: {  	_ =	shalt  }
0x83: {  	_ =	shalt  }
0x84: {  	_ =	shalt  }
0x85: {  	_ =	shalt  }
0x86: {  	_ =	shalt  }
0x87: {  	_ =	shalt  }
.Lfunc_end0:
.L_simem_size_0:
called_computation_lowered:
.L_overlay_start_0:
0x88: {  	s2 =	sld [smem:$0x3FD9]  }
0x89: {  	s3 =	sld [smem:$0x3FFE];
	_ =	sdelay $0x1  }
0x8a: {  	s1 =	srdreg.scid  }
0x8b: {  	s0 =	sand.u32 $0x1, s1  }
0x8c: {  	s17 =	sshll.u32 s0, $0xA;
	s2 =	sadd.s32 s3, s2  }
0x8d: {  	s2 =	sadd.s32 s2, s17  }
0x8e: {  	[smem:$0x3FC5] =	sst s2  }
0x8f: {  	_ = 	snop  }
0x90: {  	s2 =	sld [smem:$0x3FD0];
	(tm) =	ssettm $0x1  }
0x91: {  	s18 =	sld [smem:$0x3FFB];
	_ =	sdelay $0x3  }
0x92: {  	_ =	strace s18  }
0x93: {  	s3 =	sld [smem:$0x3FFC];
	_ =	sdelay $0x3  }
0x94: {  	_ =	strace s3  }
0x95: {  	s3 =	sld [smem:$0x3FFD];
	_ =	sdelay $0x3  }
0x96: {  	_ =	strace s3  }
0x97: {  	_ =	strace $0x8FFFFFFF  }
0x98: {  	s19 =	sld [smem:$0x3FDB];
	_ =	sdelay $0x1  }
0x99: {  	s4 =	simm.s32 $_scs_section_size  }
0x9a: {  	s5 =	simm.s32 $_size__tile_overlayer_lowered;
	s6 =	simm.s32 $_tile_overlayer_lowered  }
0x9b: {  	s22 =	simm.s32 $0x1BFF;
	s21 =	sshll.u32 s6, $0x1;
	s3 =	sadd.s32 s4, s19  }
0x9c: {  	s7 =	simm.s32 $0x0;
	s20 =	sshll.u32 s5, $0x1;
	s5 =	sadd.s32 s21, s3  }
0x9d: {  	[timem:s7], [sflag:s22] =	dma.local [hbm:s5], s20  }
0x9e: {  	_ =	swait.ge [sflag:s22], s20  }
0x9f: {  	s4 =	ssub.s32 $0x0, s20;
	[sflag:s22] =	ssyncset.done $0x0  }
0xa0: {  	[sflag:s22] =	ssyncadd.s32 s4;
	_ =	sdelay $0x1  }
0xa1: {  	s23 =	simm.s32 $0x1B8B  }
0xa2: {  	_ =	swait.ge [sflag:s23], $0x1  }
0xa3: {  	[sflag:s23] =	ssyncset.done $0x0  }
0xa4: {  	s25 =	simm.s32 $0x1B8E;
	s24 =	sld [smem:$0x3FFE];
	[sflag:s23] =	ssyncadd.s32 $0xFFFFFFFF  }
0xa5: {  	s26 =	simm.s32 $execute0_lowered;
	[smem:$0x3FD2] =	sst s25  }
0xa6: {  	s5 =	sshll.u32 s26, $0x1;
	_ =	strace $0x80000046;
	[dreg:$0x1] =	wrdreg $0xFFFFFFFF  }
0xa7: {  	s28 =	simm.s32 $_size_execute0_lowered;
	s3 =	sadd.s32 s3, s5;
	[dreg:$0x0] =	wrdreg $0x0  }
0xa8: {  	s5 =	sshll.u32 s28, $0x1;
	[dreg:$0x2] =	wrdreg s3  }
0xa9: {  	[dreg:$0x3] =	wrdreg s5  }
0xaa: {  	[dreg:$0x4] =	wrdreg $0xC0  }
0xab: {  	_ =	task [dreg:s7], $0x5FFFF  }
0xac: {  	[dreg:$0x1] =	wrdreg $0xFFFFFFFF  }
0xad: {  	[dreg:$0x0] =	wrdreg $0x60  }
0xae: {  	[dreg:$0x2] =	wrdreg s2  }
0xaf: {  	[dreg:$0x3] =	wrdreg s24  }
0xb0: {  	[dreg:$0x4] =	wrdreg $0x9  }
0xb1: {  	_ =	task.clear_ibuf [dreg:s7], $0x5FFFF;
	_ =	strace $0x90000046  }
0xb2: {  	s29 =	simm.s32 $0x9;
	_ =	strace $0x80000048  }
0xb3: {  	_ =	swait.ge [sflag:s29], $0x1  }
0xb4: {  	[sflag:s29] =	ssyncadd.s32 $0xFFFFFFFF  }
0xb5: {  	_ =	strace $0x90000048  }
0xb6: {  	_ =	sfence  }
0xb7: {  	s30 =	sld [smem:$0x0];
	_ =	sdelay $0x2  }
0xb8: {  	s31 =	sshll.u32 s1, $0xD;
	s1 =	sshrl.u32 s1, $0x2  }
0xb9: {  	s3 =	sand.u32 $0x4000, s31;
	s1 =	sadd.s32 s1, s30  }
0xba: {  	s0 =	sor.u32 s3, s0;
	s1 =	sshll.u32 s1, $0x11  }
0xbb: {  	s0 =	sor.u32 s1, s0  }
0xbc: {  	s0 =	sadd.s32 $0x8F2B, s0  }
0xbd: {  	[sflag:s0] =	ssyncadd.remote.s32 $0x1  }
0xbe: {  	_ =	sfence.sel $0xFFFF  }
0xbf: {  	[dreg:$0x0] =	wrdreg $0xFFFFFFFF;
	(pc) =	sbr.abs _section_cstart, $3  }
0xc0: {  	[dreg:$0x1] =	wrdreg $0xFFFFFFFF  }
0xc1: {  	_ =	task.clear_ibuf [dreg:s7], $0x2FFFF;
	_ =	strace $0x9FFFFFFF  }
0xc2: {  	(tm) =	ssettm $0x7FFFFFFF  }
0xc3: {  	_ =	shalt  }
tec
execute0_lowered:
.L_overlay_start_1:
0x0: {  	(tag) =	ssettag $0x1  }
0x1: {  	s0 =	srdreg.scid;
	s5 =	rddreg [dreg:$0x0]  }
0x2: {  	s1 =	stileid.u32;
	s4 =	rddreg [dreg:$0x1];
	s2 =	simm.s32 $0x0  }
0x3: {  	s12 =	simm.s32 $0x2;
	s13 =	simm.s32 $0x280;
	s14 =	simm.s32 $0x500  }
0x4: {  	s15 =	simm.s32 $0x780;
	s16 =	simm.s32 $0xA00;
	s17 =	simm.s32 $0xC80  }
0x5: {  	s19 =	simm.s32 $0xF00;
	s20 =	simm.s32 $0x2300;
	s21 =	simm.s32 $0x80  }
0x6: {  	s25 =	simm.s32 $0x1700;
	s26 =	simm.s32 $0x2480;
	s28 =	simm.s32 $0x1B00  }
0x7: {  	s29 =	simm.s32 $0x2500;
	s0 =	sand.u32 $0x1, s0;
	s1 =	sshll.u32 s1, $0x1  }
0x8: {  	s30 =	simm.s32 $0x1F00;
	s1 =	sor.u32 s0, s1;
	s0 =	ssub.s32 $0x2, s0  }
0x9: {  	s31 =	simm.s32 $0x1;
	s1 =	smul.u32 $0x280, s1;
	s7 =	sshrl.u32 s0, $0x1  }
0xa: {  	[smem:$0x7FF] =	sst s2;
	s3 =	sadd.s32 $0x4A00, s4;
	s0 =	ssub.s32 s0, s7  }
0xb: {  	_ =	strace $0x80000047;
	s6 =	sshrl.u32 s1, $0x3;
	s11 =	smax.u32 s0, $0x1  }
0xc: {  	v1 =	vmov s1;
	s1 =	simm.s32 $0x0;
	s10 =	sadd.s32 s6, s4;
	s4 =	sadd.s32 $0x4C00, s4  }
0xd: {  	v0 =	vlaneseq.u32;
	s5 =	sadd.s32 s5, s6;
	s6 =	sadd.s32 $0x1800, s10;
	s7 =	sadd.s32 $0x2200, s10  }
0xe: {  	v2 =	vor.u32 $0xFFFFFFF8, v0;
	s8 =	sadd.s32 $0x2C00, s10;
	s9 =	sadd.s32 $0x3600, s10;
	s10 =	sadd.s32 $0x4000, s10  }
.LBB2_1:
0xf: {  	[tilespmem:s2], [sflag:$0x2] =	stream.linear.gather [hbm4b:s5+s2], $0x280, $0x38;
	[tilespmem:$0x2590] =	vst v63  }
0x10: {  	_ =	swait.ge [sflag:s12], $0x280  }
0x11: {  	[sflag:s12] =	ssyncset.done $0x0  }
0x12: {  	[sflag:s12] =	ssyncadd.s32 $0xFFFFFD80  }
0x13: {  	[tilespmem:s13], [sflag:$0x2] =	stream.linear.gather [hbm4b:s6+s2], $0x280, $0x38;
	[tilespmem:$0x2590] =	vst v63  }
0x14: {  	_ =	swait.ge [sflag:s12], $0x280  }
0x15: {  	[sflag:s12] =	ssyncset.done $0x0  }
0x16: {  	[sflag:s12] =	ssyncadd.s32 $0xFFFFFD80  }
0x17: {  	[tilespmem:s14], [sflag:$0x2] =	stream.linear.gather [hbm4b:s7+s2], $0x280, $0x38;
	[tilespmem:$0x2590] =	vst v63  }
0x18: {  	_ =	swait.ge [sflag:s12], $0x280  }
0x19: {  	[sflag:s12] =	ssyncset.done $0x0  }
0x1a: {  	[sflag:s12] =	ssyncadd.s32 $0xFFFFFD80  }
0x1b: {  	[tilespmem:s15], [sflag:$0x2] =	stream.linear.gather [hbm4b:s8+s2], $0x280, $0x38;
	[tilespmem:$0x2590] =	vst v63  }
0x1c: {  	_ =	swait.ge [sflag:s12], $0x280  }
0x1d: {  	[sflag:s12] =	ssyncset.done $0x0  }
0x1e: {  	[sflag:s12] =	ssyncadd.s32 $0xFFFFFD80  }
0x1f: {  	[tilespmem:s16], [sflag:$0x2] =	stream.linear.gather [hbm4b:s9+s2], $0x280, $0x38;
	[tilespmem:$0x2590] =	vst v63  }
0x20: {  	_ =	swait.ge [sflag:s12], $0x280  }
0x21: {  	[sflag:s12] =	ssyncset.done $0x0  }
0x22: {  	[sflag:s12] =	ssyncadd.s32 $0xFFFFFD80  }
0x23: {  	[tilespmem:s17], [sflag:$0x2] =	stream.linear.gather [hbm4b:s10+s2], $0x280, $0x38;
	[tilespmem:$0x2590] =	vst v63  }
0x24: {  	_ =	swait.ge [sflag:s12], $0x280  }
0x25: {  	v5 =	vor.u32 s2, v0;
	[sflag:s12] =	ssyncset.done $0x0  }
0x26: {  	s0 =	simm.s32 $0x2580;
	v3 =	vand.u32 v2, v5;
	[sflag:s12] =	ssyncadd.s32 $0xFFFFFD80  }
0x27: {  	[tilespmem:s0], [sflag:$0x2] =	stream.linear.gather [hbm4b:s3+s2], $0x10, $0x38;
	[tilespmem:$0x2590] =	vst v63  }
0x28: {  	_ =	swait.ge [sflag:s12], $0x10  }
0x29: {  	[sflag:s12] =	ssyncset.done $0x0  }
0x2a: {  	[sflag:s12] =	ssyncadd.s32 $0xFFFFFFF0  }
0x2b: {  	v6 =	vshll.u32 v5, $0x3;
	v4 =	vld.idx.msk [tilespmem:v3+s2+$0x0], $0xffff  }
0x2c: {  	v8 =	vor.u32 $0x1, v6;
	v7 =	vld.idx.msk [tilespmem:v3+s13+$0x0], $0xffff  }
0x2d: {  	v10 =	vor.u32 $0x2, v6;
	v9 =	vld.idx.msk [tilespmem:v3+s14+$0x0], $0xffff  }
0x2e: {  	v12 =	vor.u32 $0x3, v6;
	v11 =	vld.idx.msk [tilespmem:v3+s15+$0x0], $0xffff;
	_ =	sdelay $0x1  }
0x2f: {  	v13 =	vld [tilespmem:$0x2580];
	[tilespmem:v6+s19+$0x0] =	vst.idx.msk $0xffff, v4  }
0x30: {  	[tilespmem:v8+s19+$0x0] =	vst.idx.msk $0xffff, v7  }
0x31: {  	[tilespmem:v10+s19+$0x0] =	vst.idx.msk $0xffff, v9  }
0x32: {  	[tilespmem:v12+s19+$0x0] =	vst.idx.msk $0xffff, v11  }
0x33: {  	s24 =	simm.s32 $0x0;
	v6 =	vld.idx.msk [tilespmem:v3+s16+$0x0], $0xffff  }
0x34: {  	s18 =	sand.u32 $0x70, s2;
	s0 =	sand.u32 $0xFFFFFF80, s24;
	v9 =	vld.idx.msk [tilespmem:v3+s17+$0x0], $0xffff  }
0x35: {  	s18 =	sor.u32 s18, s0;
	s0 =	simm.s32 $0x10  }
0x36: {  	v4 =	vor.u32 s0, v0;
	v7 =	vor.u32 s18, v0;
	v3 =	vadd.s32 v1, v13  }
0x37: {  	v8 =	vadd.s32 v5, v3;
	v5 =	vand.u32 v2, v4;
	_ =	sdelay $0x1  }
0x38: {  	s22 =	simm.s32 $0x2;
	s18 =	simm.s32 $0x1;
	v8 =	vsub.s32 v8, v6;
	vm0 =	vgt.s32 v9, $0x0  }
.LBB2_2:
0x39: {  	p0 =	sne.s32 s22, $0x27;
	v6 =	vsel vm0, v6, v8;
	s23 =	smov.u32 s22;
	s22 =	sadd.s32 $0x1, s22  }
0x3a: {  	[tilespmem:v7+s20+$0x0] =	vst.idx.msk $0xffff, v6  }
0x3b: {  	v6 =	vld.idx.msk [tilespmem:v5+s2+$0x0], $0xffff  }
0x3c: {  	v8 =	vshll.u32 v4, $0x3;
	v7 =	vld.idx.msk [tilespmem:v5+s13+$0x0], $0xffff  }
0x3d: {  	v10 =	vor.u32 $0x1, v8;
	v9 =	vld.idx.msk [tilespmem:v5+s14+$0x0], $0xffff  }
0x3e: {  	v12 =	vor.u32 $0x2, v8;
	v11 =	vld.idx.msk [tilespmem:v5+s15+$0x0], $0xffff  }
0x3f: {  	v13 =	vor.u32 $0x3, v8;
	_ =	sdelay $0x1  }
0x40: {  	[tilespmem:v8+s19+$0x0] =	vst.idx.msk $0xffff, v6  }
0x41: {  	[tilespmem:v10+s19+$0x0] =	vst.idx.msk $0xffff, v7  }
0x42: {  	[tilespmem:v12+s19+$0x0] =	vst.idx.msk $0xffff, v9  }
0x43: {  	[tilespmem:v13+s19+$0x0] =	vst.idx.msk $0xffff, v11  }
0x44: {  	s24 =	sshll.u32 s18, $0x4;
	s18 =	smov.u32 s23;
	v6 =	vld.idx.msk [tilespmem:v5+s16+$0x0], $0xffff  }
0x45: {  	s23 =	sand.u32 $0x70, s0;
	s24 =	sand.u32 $0xFFFFFF80, s24;
	v9 =	vld.idx.msk [tilespmem:v5+s17+$0x0], $0xffff  }
0x46: {  	s23 =	sor.u32 s23, s24  }
.Ltmp0:
0x47: {  	s0 =	sadd.s32 $0x10, s0;
	v7 =	vor.u32 s23, v0;
	(pc) =	sbr.rel @p0 .LBB2_2-.Ltmp0, $4  }
0x48: {  	v8 =	vor.u32 s0, v0  }
0x49: {  	v10 =	vadd.s32 v4, v3;
	v4 =	vmov v8;
	v5 =	vand.u32 v2, v8  }
0x4a: {  	v8 =	vsub.s32 v10, v6  }
0x4b: {  	vm0 =	vgt.s32 v9, $0x0  }
0x4c: {  	_ =	sdelay $0x2  }
0x4d: {  	v6 =	vsel vm0, v6, v8  }
0x4e: {  	[tilespmem:v7+s20+$0x0] =	vst.idx.msk $0xffff, v6  }
0x4f: {  	v60 =	vshll.u32 v4, $0x3;
	v6 =	vld.idx.msk [tilespmem:v5+s2+$0x0], $0xffff  }
0x50: {  	v9 =	vor.u32 $0x1, v60;
	v61 =	vld.idx.msk [tilespmem:v5+s13+$0x0], $0xffff  }
0x51: {  	v11 =	vor.u32 $0x2, v60;
	v10 =	vld.idx.msk [tilespmem:v5+s14+$0x0], $0xffff  }
0x52: {  	v13 =	vor.u32 $0x3, v60;
	v12 =	vld.idx.msk [tilespmem:v5+s15+$0x0], $0xffff;
	_ =	sdelay $0x1  }
0x53: {  	[tilespmem:v60+s19+$0x0] =	vst.idx.msk $0xffff, v6  }
0x54: {  	[tilespmem:v9+s19+$0x0] =	vst.idx.msk $0xffff, v61  }
0x55: {  	[tilespmem:v11+s19+$0x0] =	vst.idx.msk $0xffff, v10  }
0x56: {  	[tilespmem:v13+s19+$0x0] =	vst.idx.msk $0xffff, v12  }
0x57: {  	s18 =	sshll.u32 s18, $0x4;
	v6 =	vld.idx.msk [tilespmem:v5+s16+$0x0], $0xffff  }
0x58: {  	s0 =	sand.u32 $0x70, s0;
	s18 =	sand.u32 $0xFFFFFF80, s18;
	v62 =	vld.idx.msk [tilespmem:v5+s17+$0x0], $0xffff  }
0x59: {  	s0 =	sor.u32 s0, s18  }
0x5a: {  	v63 =	vor.u32 s0, v0;
	_ =	sdelay $0x1  }
0x5b: {  	v3 =	vadd.s32 v4, v3  }
0x5c: {  	v3 =	vsub.s32 v3, v6;
	vm15 =	vgt.s32 v62, $0x0  }
0x5d: {  	v3 =	vsel vm15, v6, v3  }
0x5e: {  	[tilespmem:v63+s20+$0x0] =	vst.idx.msk $0xffff, v3  }
0x5f: {  	[hbm4b:s4+s21] =	stream.indirect.scatter [tilespmem:s19], [sflag:$0x1], $0x8, s20, s21, $0xb8;
	[tilespmem:$0x2590] =	vst v63  }
0x60: {  	s22 =	simm.s32 $0x2380;
	s23 =	simm.s32 $0x1300  }
0x61: {  	[hbm4b:s4+s21] =	stream.indirect.scatter [tilespmem:s23], [sflag:$0x1], $0x8, s22, s21, $0xb8;
	[tilespmem:$0x2590] =	vst v63  }
0x62: {  	s24 =	simm.s32 $0x2400  }
0x63: {  	[hbm4b:s4+s21] =	stream.indirect.scatter [tilespmem:s25], [sflag:$0x1], $0x8, s24, s21, $0xb8;
	[tilespmem:$0x2590] =	vst v63  }
0x64: {  	_ = 	snop  }
0x65: {  	[hbm4b:s4+s21] =	stream.indirect.scatter [tilespmem:s28], [sflag:$0x1], $0x8, s26, s21, $0xb8;
	[tilespmem:$0x2590] =	vst v63  }
0x66: {  	_ = 	snop  }
0x67: {  	[hbm4b:s4+s21] =	stream.indirect.scatter [tilespmem:s30], [sflag:$0x1], $0x8, s29, s21, $0xb8;
	[tilespmem:$0x2590] =	vst v63  }
0x68: {  	_ =	swait.ge [sflag:s31], $0x400  }
0x69: {  	[sflag:s31] =	ssyncset.done $0x0  }
0x6a: {  	[sflag:s31] =	ssyncadd.s32 $0xFFFFFC00  }
0x6b: {  	_ =	swait.ge [sflag:s31], $0x400  }
0x6c: {  	[sflag:s31] =	ssyncset.done $0x0  }
0x6d: {  	[sflag:s31] =	ssyncadd.s32 $0xFFFFFC00  }
0x6e: {  	_ =	swait.ge [sflag:s31], $0x400  }
0x6f: {  	[sflag:s31] =	ssyncset.done $0x0  }
0x70: {  	s1 =	sadd.s32 $0x1, s1;
	[sflag:s31] =	ssyncadd.s32 $0xFFFFFC00  }
0x71: {  	p0 =	sne.s32 s1, s11;
	_ =	swait.ge [sflag:s31], $0x400  }
.Ltmp1:
0x72: {  	[sflag:s31] =	ssyncset.done $0x0;
	(pc) =	sbr.rel @p0 .LBB2_1-.Ltmp1, $4  }
0x73: {  	[sflag:s31] =	ssyncadd.s32 $0xFFFFFC00  }
0x74: {  	_ =	swait.ge [sflag:s31], $0x400  }
0x75: {  	[sflag:s31] =	ssyncset.done $0x0  }
0x76: {  	[sflag:s31] =	ssyncadd.s32 $0xFFFFFC00  }
0x77: {  	_ =	sfence.sel $0x180000  }
0x78: {  	[bflag:$0x0] =	sbarrier.arrive $0xFFFF  }
0x79: {  	_ =	strace $0x90000047  }
0x7a: {  	s0 =	stileid.u32;
	[bflag:$0x2] =	sbarrier.arrive $0xFFFF  }
0x7b: {  	p0 =	sne.s32 s0, $0x0;
	s0 =	rddreg [dreg:$0x2]  }
0x7c: {  	s0 =	sadd.s32 @!p0 $0x100000, s0  }
0x7d: {  	[sflag:s0] =	ssyncadd.tile.s32 @!p0 $0x1;
	_ =	shalt  }
.Lfunc_end2:
_tile_overlayer_lowered:
.L_overlay_start_2:
0x7e: {  	(tag) =	ssettag $0x2  }
0x7f: {  	s0 =	rddreg [dreg:$0x0];
	s2 =	stileid.u32  }
0x80: {  	s1 =	rddreg [dreg:$0x1];
	p0 =	sne.s32 s2, $0x0  }
0x81: {  	s3 =	rddreg [dreg:$0x2];
	[bflag:$0x3] =	sbarrier.arrive $0xFFFF;
	s2 =	simm.s32 @!p0 $0x1C02  }
0x82: {  	[timem:s3], [sflag:s2] =	dma.local @!p0 [hbm:s0], s1  }
0x83: {  	s0 =	simm.s32 @!p0 $0x2  }
0x84: {  	_ =	swait.ge @!p0 [sflag:s0], s1  }
0x85: {  	s1 =	ssub.s32 @!p0 $0x0, s1;
	[sflag:s0] =	ssyncset.done @!p0 $0x0  }
0x86: {  	[sflag:s0] =	ssyncadd.s32 @!p0 s1  }
0x87: {  	[bflag:$0x3] =	sbarrier.arrive $0xFFFF  }
0x88: {  	_ =	shalt  }

</sc_bundles>
